<compile_context>
chip_gen: v7x
topology: tpu7x:2x2x1
jax: 0.10.2.dev20260603
libtpu: 0.0.44.dev20260713+nightly
codegen_flags: <defaults>
</compile_context>

<pallas_src>
import functools

import jax
import jax.numpy as jnp
from jax import lax
from jax.experimental import pallas as pl
from jax.experimental.pallas import tpu as pltpu
from jax.experimental.pallas import tpu_sc as plsc

D_MODEL = 64
SCALE = 8.0

_info = plsc.get_sparse_core_info()
_NC, _NS = _info.num_cores, _info.num_subcores
_NW = _NC * _NS

S1 = 128


def _make_gather(n_batch, seq_len):
    rows_per_w = n_batch // _NW
    s2 = seq_len - S1
    mesh = plsc.VectorSubcoreMesh(core_axis_name="c", subcore_axis_name="s")

    @functools.partial(
        pl.kernel,
        mesh=mesh,
        compiler_params=pltpu.CompilerParams(use_tc_tiling_on_sc=False),
        out_type=jax.ShapeDtypeStruct((n_batch, seq_len, D_MODEL), jnp.float32),
        scratch_types=[
            pltpu.VMEM((rows_per_w, seq_len), jnp.int32),
            pltpu.VMEM((2, seq_len, D_MODEL), jnp.float32),
            pltpu.SemaphoreType.DMA,
            pltpu.SemaphoreType.DMA,
            pltpu.SemaphoreType.DMA,
            pltpu.SemaphoreType.DMA,
        ],
    )
    def gather_scale(idx_hbm, table_hbm, out_hbm, idx_v, rows_v, g0, g1, w0, w1):
        wid = lax.axis_index("s") * _NC + lax.axis_index("c")
        row0 = wid * rows_per_w
        sem_g = [g0, g1]
        sem_w = [w0, w1]

        pltpu.sync_copy(idx_hbm.at[pl.ds(row0, rows_per_w)], idx_v)

        def fire_gathers(g, b):
            pltpu.async_copy(
                table_hbm.at[idx_v.at[g, pl.ds(0, S1)]],
                rows_v.at[b].at[pl.ds(0, S1)],
                sem_g[b],
            )
            pltpu.async_copy(
                table_hbm.at[idx_v.at[g, pl.ds(S1, s2)]],
                rows_v.at[b].at[pl.ds(S1, s2)],
                sem_g[b],
            )

        def drain(sem):
            pltpu.make_async_copy(
                table_hbm.at[pl.ds(0, seq_len)], rows_v.at[0], sem
            ).wait()

        fire_gathers(0, 0)

        def outer(go, carry):
            for b in range(2):
                g = 2 * go + b
                bn = 1 - b

                @pl.when(g < rows_per_w - 1)
                def _():
                    @pl.when(g >= 1)
                    def _():
                        drain(sem_w[bn])

                    fire_gathers(g + 1, bn)

                drain(sem_g[b])

                def mul_body(i, c2):
                    for j in range(D_MODEL // 16):
                        sl = pl.ds(j * 16, 16)
                        rows_v[b, i, sl] = rows_v[b, i, sl] * SCALE
                    return c2

                lax.fori_loop(0, seq_len, mul_body, 0, unroll=4)
                pltpu.async_copy(
                    rows_v.at[b],
                    out_hbm.at[row0 + g],
                    sem_w[b],
                )
            return carry

        lax.fori_loop(0, rows_per_w // 2, outer, 0)
        drain(sem_w[0])
        drain(sem_w[1])

    return gather_scale


def kernel(x, lut):
    b, t = x.shape
    idx = x.astype(jnp.int32)
    return _make_gather(b, t)(idx, lut)

# --- scband reference (transcript-rebuilt; emitter-appended) ---
"""Pipeline reference for scband-weighted-embeddings-1176821040105 (READ-ONLY COPY).

The authoritative reference and input builder live on the scoring server;
editing this copy changes nothing except your own understanding.
"""

import jax, jax.numpy as jnp
import numpy as np
import math

D_MODEL = 64
VOCAB = 1000000

def setup_inputs(seed: int = 0) -> dict:
    key = jax.random.key(seed)
    k1, k2 = jax.random.split(key)
    x = jax.random.randint(k1, (4096, 200), 0, VOCAB, dtype=jnp.int64 if jax.config.jax_enable_x64 else jnp.int32)
    # Embedding table (learned parameter), default nn.Embedding init ~ N(0,1)
    lut = jax.random.normal(k2, (VOCAB, D_MODEL), dtype=jnp.float32)
    return {"x": x, "lut": lut}

def reference(x, lut):
    # Faithful translation: embedding lookup scaled by sqrt(d_model)
    emb = jnp.take(lut, x, axis=0)  # [batch, max_len, d_model]
    return emb * math.sqrt(D_MODEL)

if __name__ == "__main__":
    import jax
    _d = setup_inputs()
    print(jax.jit(kernel)(*tuple(_d.values())))

</pallas_src>

<mosaic_0001>
#map = affine_map<(d0, d1) -> (0, 0)>
#map1 = affine_map<(d0, d1) -> (0, 0, 0)>
module attributes {stable_mosaic.version = 14 : i64} {
  func.func @gather_scale(%arg0: i32, %arg1: i32, %arg2: memref<4096x200xi32, #tpu.memory_space<hbm>>, %arg3: memref<1000000x64xf32, #tpu.memory_space<hbm>>, %arg4: memref<4096x200x64xf32, #tpu.memory_space<hbm>>, %arg5: memref<128x200xi32, #tpu.memory_space<vmem>>, %arg6: memref<2x200x64xf32, #tpu.memory_space<vmem>>, %arg7: memref<!tpu.dma_semaphore, #tpu.memory_space<semaphore_mem>>, %arg8: memref<!tpu.dma_semaphore, #tpu.memory_space<semaphore_mem>>, %arg9: memref<!tpu.dma_semaphore, #tpu.memory_space<semaphore_mem>>, %arg10: memref<!tpu.dma_semaphore, #tpu.memory_space<semaphore_mem>>) attributes {dimension_semantics = [#tpu.dimension_semantics<core_parallel>, #tpu.dimension_semantics<subcore_parallel>], iteration_bounds = array<i64: 2, 16>, scalar_prefetch = 0 : i64, scratch_operands = 6 : i64, tpu.core_type = #tpu.core_type<sc_vector_subcore>, window_params = [{transform_indices = #map}, {transform_indices = #map}, {transform_indices = #map1}]} {
    %mul3A = arith.constant 2 : i32
    %mul3A_0 = arith.muli %arg1, %mul3A : i32
    %add3A = arith.addi %mul3A_0, %arg0 : i32
    %mul3A_1 = arith.constant 128 : i32
    %mul3A_2 = arith.muli %add3A, %mul3A_1 : i32
    "tpu.region"() ({
      %run_scoped3A = tpu.sem_alloc : memref<!tpu.dma_semaphore, #tpu.memory_space<semaphore_mem>>
      %dma_start3A_66 = arith.constant 0 : i32
      %dma_start3A_67 = tpu.memref_slice %arg2[%mul3A_2, %dma_start3A_66] : memref<4096x200xi32, #tpu.memory_space<hbm>> -> memref<128x200xi32, #tpu.memory_space<hbm>>
      %dma_start3A_68 = arith.constant 0 : i32
      %dma_start3A_69 = tpu.memref_slice %arg2[%mul3A_2, %dma_start3A_68] : memref<4096x200xi32, #tpu.memory_space<hbm>> -> memref<128x200xi32, #tpu.memory_space<hbm>>
      tpu.enqueue_dma source(%dma_start3A_69 : memref<128x200xi32, #tpu.memory_space<hbm>>) target(%arg5 : memref<128x200xi32, #tpu.memory_space<vmem>>) target_semaphore(%run_scoped3A : memref<!tpu.dma_semaphore, #tpu.memory_space<semaphore_mem>>)
      %dma_wait3A_70 = arith.constant 0 : i32
      %dma_wait3A_71 = tpu.memref_slice %arg2[%mul3A_2, %dma_wait3A_70] : memref<4096x200xi32, #tpu.memory_space<hbm>> -> memref<128x200xi32, #tpu.memory_space<hbm>>
      %dma_wait3A_72 = arith.constant 0 : i32
      %dma_wait3A_73 = tpu.memref_slice %arg2[%mul3A_2, %dma_wait3A_72] : memref<4096x200xi32, #tpu.memory_space<hbm>> -> memref<128x200xi32, #tpu.memory_space<hbm>>
      tpu.wait_dma2 semaphore(%run_scoped3A : memref<!tpu.dma_semaphore, #tpu.memory_space<semaphore_mem>>) src(%dma_wait3A_73 : memref<128x200xi32, #tpu.memory_space<hbm>>) dst(%arg5 : memref<128x200xi32, #tpu.memory_space<vmem>>)
      tpu.yield
    }) : () -> ()
    %dma_start3A = arith.constant 0 : i32
    %dma_start3A_3 = arith.constant 0 : i32
    %dma_start3A_4 = arith.constant 0 : i32
    %dma_start3A_5 = arith.constant 0 : i32
    %dma_start3A_6 = tpu.memref_slice %arg6[%dma_start3A_3, %dma_start3A_4, %dma_start3A_5] : memref<2x200x64xf32, #tpu.memory_space<vmem>> -> memref<1x200x64xf32, #tpu.memory_space<vmem>>
    %dma_start3A_7 = tpu.memref_squeeze %dma_start3A_6 : memref<1x200x64xf32, #tpu.memory_space<vmem>> -> memref<200x64xf32, #tpu.memory_space<vmem>>
    %dma_start3A_8 = arith.constant 0 : i32
    %dma_start3A_9 = arith.constant 0 : i32
    %dma_start3A_10 = tpu.memref_slice %dma_start3A_7[%dma_start3A_8, %dma_start3A_9] : memref<200x64xf32, #tpu.memory_space<vmem>> -> memref<128x64xf32, #tpu.memory_space<vmem>>
    %dma_start3A_11 = arith.constant 0 : i32
    %dma_start3A_12 = tpu.memref_slice %arg5[%dma_start3A, %dma_start3A_11] : memref<128x200xi32, #tpu.memory_space<vmem>> -> memref<1x128xi32, #tpu.memory_space<vmem>>
    %dma_start3A_13 = tpu.memref_squeeze %dma_start3A_12 : memref<1x128xi32, #tpu.memory_space<vmem>> -> memref<128xi32, #tpu.memory_space<vmem>>
    %dma_start3A_14 = arith.constant 0 : i32
    %dma_start3A_15 = arith.constant 0 : i32
    %dma_start3A_16 = tpu.memref_slice %arg3[%dma_start3A_14, %dma_start3A_15] : memref<1000000x64xf32, #tpu.memory_space<hbm>> -> memref<1000000x64xf32, #tpu.memory_space<hbm>>
    tpu.enqueue_indirect_dma source(%dma_start3A_16 : memref<1000000x64xf32, #tpu.memory_space<hbm>>) target(%dma_start3A_10 : memref<128x64xf32, #tpu.memory_space<vmem>>) offsets(%dma_start3A_13 : memref<128xi32, #tpu.memory_space<vmem>>) semaphore(%arg7 : memref<!tpu.dma_semaphore, #tpu.memory_space<semaphore_mem>>)
    %dma_start3A_17 = arith.constant 0 : i32
    %dma_start3A_18 = arith.constant 0 : i32
    %dma_start3A_19 = arith.constant 0 : i32
    %dma_start3A_20 = arith.constant 0 : i32
    %dma_start3A_21 = tpu.memref_slice %arg6[%dma_start3A_18, %dma_start3A_19, %dma_start3A_20] : memref<2x200x64xf32, #tpu.memory_space<vmem>> -> memref<1x200x64xf32, #tpu.memory_space<vmem>>
    %dma_start3A_22 = tpu.memref_squeeze %dma_start3A_21 : memref<1x200x64xf32, #tpu.memory_space<vmem>> -> memref<200x64xf32, #tpu.memory_space<vmem>>
    %dma_start3A_23 = arith.constant 128 : i32
    %dma_start3A_24 = arith.constant 0 : i32
    %dma_start3A_25 = tpu.memref_slice %dma_start3A_22[%dma_start3A_23, %dma_start3A_24] : memref<200x64xf32, #tpu.memory_space<vmem>> -> memref<72x64xf32, #tpu.memory_space<vmem>>
    %dma_start3A_26 = arith.constant 128 : i32
    %dma_start3A_27 = tpu.memref_slice %arg5[%dma_start3A_17, %dma_start3A_26] : memref<128x200xi32, #tpu.memory_space<vmem>> -> memref<1x72xi32, #tpu.memory_space<vmem>>
    %dma_start3A_28 = tpu.memref_squeeze %dma_start3A_27 : memref<1x72xi32, #tpu.memory_space<vmem>> -> memref<72xi32, #tpu.memory_space<vmem>>
    %dma_start3A_29 = arith.constant 0 : i32
    %dma_start3A_30 = arith.constant 0 : i32
    %dma_start3A_31 = tpu.memref_slice %arg3[%dma_start3A_29, %dma_start3A_30] : memref<1000000x64xf32, #tpu.memory_space<hbm>> -> memref<1000000x64xf32, #tpu.memory_space<hbm>>
    tpu.enqueue_indirect_dma source(%dma_start3A_31 : memref<1000000x64xf32, #tpu.memory_space<hbm>>) target(%dma_start3A_25 : memref<72x64xf32, #tpu.memory_space<vmem>>) offsets(%dma_start3A_28 : memref<72xi32, #tpu.memory_space<vmem>>) semaphore(%arg7 : memref<!tpu.dma_semaphore, #tpu.memory_space<semaphore_mem>>)
    %scan3A = arith.constant 0 : i32
    %scan3A_32 = arith.constant 0 : i32
    %scan3A_33 = arith.constant 64 : i32
    %scan3A_34 = arith.addi %scan3A_32, %scan3A_33 : i32
    %scan3A_35 = arith.constant 1 : i32
    scf.for %scan3A_66 = %scan3A_32 to %scan3A_34 step %scan3A_35  : i32 {
      %mul3A_67 = arith.constant 2 : i32
      %mul3A_68 = arith.muli %mul3A_67, %scan3A_66 : i32
      %add3A_69 = arith.constant 0 : i32
      %add3A_70 = arith.addi %mul3A_68, %add3A_69 : i32
      %lt3A = arith.constant 127 : i32
      %lt3A_71 = arith.cmpi slt, %add3A_70, %lt3A : i32
      %convert_element_type3A = arith.extui %lt3A_71 : i1 to i32
      %cond3A = arith.constant 0 : i32
      %cond3A_72 = arith.cmpi ne, %convert_element_type3A, %cond3A : i32
      scf.if %cond3A_72 {
        %ge3A = arith.constant 1 : i32
        %ge3A_160 = arith.cmpi sge, %add3A_70, %ge3A : i32
        %convert_element_type3A_161 = arith.extui %ge3A_160 : i1 to i32
        %cond3A_162 = arith.constant 0 : i32
        %cond3A_163 = arith.cmpi ne, %convert_element_type3A_161, %cond3A_162 : i32
        scf.if %cond3A_163 {
          %dma_wait3A_194 = arith.constant 0 : i32
          %dma_wait3A_195 = arith.constant 0 : i32
          %dma_wait3A_196 = arith.constant 0 : i32
          %dma_wait3A_197 = tpu.memref_slice %arg6[%dma_wait3A_194, %dma_wait3A_195, %dma_wait3A_196] : memref<2x200x64xf32, #tpu.memory_space<vmem>> -> memref<1x200x64xf32, #tpu.memory_space<vmem>>
          %dma_wait3A_198 = tpu.memref_squeeze %dma_wait3A_197 : memref<1x200x64xf32, #tpu.memory_space<vmem>> -> memref<200x64xf32, #tpu.memory_space<vmem>>
          %dma_wait3A_199 = arith.constant 0 : i32
          %dma_wait3A_200 = arith.constant 0 : i32
          %dma_wait3A_201 = tpu.memref_slice %arg3[%dma_wait3A_199, %dma_wait3A_200] : memref<1000000x64xf32, #tpu.memory_space<hbm>> -> memref<200x64xf32, #tpu.memory_space<hbm>>
          %dma_wait3A_202 = arith.constant 0 : i32
          %dma_wait3A_203 = arith.constant 0 : i32
          %dma_wait3A_204 = tpu.memref_slice %arg6[%dma_wait3A_194, %dma_wait3A_202, %dma_wait3A_203] : memref<2x200x64xf32, #tpu.memory_space<vmem>> -> memref<1x200x64xf32, #tpu.memory_space<vmem>>
          %dma_wait3A_205 = tpu.memref_squeeze %dma_wait3A_204 : memref<1x200x64xf32, #tpu.memory_space<vmem>> -> memref<200x64xf32, #tpu.memory_space<vmem>>
          %dma_wait3A_206 = arith.constant 0 : i32
          %dma_wait3A_207 = arith.constant 0 : i32
          %dma_wait3A_208 = tpu.memref_slice %arg3[%dma_wait3A_206, %dma_wait3A_207] : memref<1000000x64xf32, #tpu.memory_space<hbm>> -> memref<200x64xf32, #tpu.memory_space<hbm>>
          tpu.wait_dma2 semaphore(%arg10 : memref<!tpu.dma_semaphore, #tpu.memory_space<semaphore_mem>>) src(%dma_wait3A_208 : memref<200x64xf32, #tpu.memory_space<hbm>>) dst(%dma_wait3A_205 : memref<200x64xf32, #tpu.memory_space<vmem>>)
        } else {
        }
        %add3A_164 = arith.constant 1 : i32
        %add3A_165 = arith.addi %add3A_70, %add3A_164 : i32
        %dma_start3A_166 = arith.constant 1 : i32
        %dma_start3A_167 = arith.constant 0 : i32
        %dma_start3A_168 = arith.constant 0 : i32
        %dma_start3A_169 = tpu.memref_slice %arg6[%dma_start3A_166, %dma_start3A_167, %dma_start3A_168] : memref<2x200x64xf32, #tpu.memory_space<vmem>> -> memref<1x200x64xf32, #tpu.memory_space<vmem>>
        %dma_start3A_170 = tpu.memref_squeeze %dma_start3A_169 : memref<1x200x64xf32, #tpu.memory_space<vmem>> -> memref<200x64xf32, #tpu.memory_space<vmem>>
        %dma_start3A_171 = arith.constant 0 : i32
        %dma_start3A_172 = arith.constant 0 : i32
        %dma_start3A_173 = tpu.memref_slice %dma_start3A_170[%dma_start3A_171, %dma_start3A_172] : memref<200x64xf32, #tpu.memory_space<vmem>> -> memref<128x64xf32, #tpu.memory_space<vmem>>
        %dma_start3A_174 = arith.constant 0 : i32
        %dma_start3A_175 = tpu.memref_slice %arg5[%add3A_165, %dma_start3A_174] : memref<128x200xi32, #tpu.memory_space<vmem>> -> memref<1x128xi32, #tpu.memory_space<vmem>>
        %dma_start3A_176 = tpu.memref_squeeze %dma_start3A_175 : memref<1x128xi32, #tpu.memory_space<vmem>> -> memref<128xi32, #tpu.memory_space<vmem>>
        %dma_start3A_177 = arith.constant 0 : i32
        %dma_start3A_178 = arith.constant 0 : i32
        %dma_start3A_179 = tpu.memref_slice %arg3[%dma_start3A_177, %dma_start3A_178] : memref<1000000x64xf32, #tpu.memory_space<hbm>> -> memref<1000000x64xf32, #tpu.memory_space<hbm>>
        tpu.enqueue_indirect_dma source(%dma_start3A_179 : memref<1000000x64xf32, #tpu.memory_space<hbm>>) target(%dma_start3A_173 : memref<128x64xf32, #tpu.memory_space<vmem>>) offsets(%dma_start3A_176 : memref<128xi32, #tpu.memory_space<vmem>>) semaphore(%arg8 : memref<!tpu.dma_semaphore, #tpu.memory_space<semaphore_mem>>)
        %dma_start3A_180 = arith.constant 1 : i32
        %dma_start3A_181 = arith.constant 0 : i32
        %dma_start3A_182 = arith.constant 0 : i32
        %dma_start3A_183 = tpu.memref_slice %arg6[%dma_start3A_180, %dma_start3A_181, %dma_start3A_182] : memref<2x200x64xf32, #tpu.memory_space<vmem>> -> memref<1x200x64xf32, #tpu.memory_space<vmem>>
        %dma_start3A_184 = tpu.memref_squeeze %dma_start3A_183 : memref<1x200x64xf32, #tpu.memory_space<vmem>> -> memref<200x64xf32, #tpu.memory_space<vmem>>
        %dma_start3A_185 = arith.constant 128 : i32
        %dma_start3A_186 = arith.constant 0 : i32
        %dma_start3A_187 = tpu.memref_slice %dma_start3A_184[%dma_start3A_185, %dma_start3A_186] : memref<200x64xf32, #tpu.memory_space<vmem>> -> memref<72x64xf32, #tpu.memory_space<vmem>>
        %dma_start3A_188 = arith.constant 128 : i32
        %dma_start3A_189 = tpu.memref_slice %arg5[%add3A_165, %dma_start3A_188] : memref<128x200xi32, #tpu.memory_space<vmem>> -> memref<1x72xi32, #tpu.memory_space<vmem>>
        %dma_start3A_190 = tpu.memref_squeeze %dma_start3A_189 : memref<1x72xi32, #tpu.memory_space<vmem>> -> memref<72xi32, #tpu.memory_space<vmem>>
        %dma_start3A_191 = arith.constant 0 : i32
        %dma_start3A_192 = arith.constant 0 : i32
        %dma_start3A_193 = tpu.memref_slice %arg3[%dma_start3A_191, %dma_start3A_192] : memref<1000000x64xf32, #tpu.memory_space<hbm>> -> memref<1000000x64xf32, #tpu.memory_space<hbm>>
        tpu.enqueue_indirect_dma source(%dma_start3A_193 : memref<1000000x64xf32, #tpu.memory_space<hbm>>) target(%dma_start3A_187 : memref<72x64xf32, #tpu.memory_space<vmem>>) offsets(%dma_start3A_190 : memref<72xi32, #tpu.memory_space<vmem>>) semaphore(%arg8 : memref<!tpu.dma_semaphore, #tpu.memory_space<semaphore_mem>>)
      } else {
      }
      %dma_wait3A_73 = arith.constant 0 : i32
      %dma_wait3A_74 = arith.constant 0 : i32
      %dma_wait3A_75 = arith.constant 0 : i32
      %dma_wait3A_76 = tpu.memref_slice %arg6[%dma_wait3A_73, %dma_wait3A_74, %dma_wait3A_75] : memref<2x200x64xf32, #tpu.memory_space<vmem>> -> memref<1x200x64xf32, #tpu.memory_space<vmem>>
      %dma_wait3A_77 = tpu.memref_squeeze %dma_wait3A_76 : memref<1x200x64xf32, #tpu.memory_space<vmem>> -> memref<200x64xf32, #tpu.memory_space<vmem>>
      %dma_wait3A_78 = arith.constant 0 : i32
      %dma_wait3A_79 = arith.constant 0 : i32
      %dma_wait3A_80 = tpu.memref_slice %arg3[%dma_wait3A_78, %dma_wait3A_79] : memref<1000000x64xf32, #tpu.memory_space<hbm>> -> memref<200x64xf32, #tpu.memory_space<hbm>>
      %dma_wait3A_81 = arith.constant 0 : i32
      %dma_wait3A_82 = arith.constant 0 : i32
      %dma_wait3A_83 = tpu.memref_slice %arg6[%dma_wait3A_73, %dma_wait3A_81, %dma_wait3A_82] : memref<2x200x64xf32, #tpu.memory_space<vmem>> -> memref<1x200x64xf32, #tpu.memory_space<vmem>>
      %dma_wait3A_84 = tpu.memref_squeeze %dma_wait3A_83 : memref<1x200x64xf32, #tpu.memory_space<vmem>> -> memref<200x64xf32, #tpu.memory_space<vmem>>
      %dma_wait3A_85 = arith.constant 0 : i32
      %dma_wait3A_86 = arith.constant 0 : i32
      %dma_wait3A_87 = tpu.memref_slice %arg3[%dma_wait3A_85, %dma_wait3A_86] : memref<1000000x64xf32, #tpu.memory_space<hbm>> -> memref<200x64xf32, #tpu.memory_space<hbm>>
      tpu.wait_dma2 semaphore(%arg7 : memref<!tpu.dma_semaphore, #tpu.memory_space<semaphore_mem>>) src(%dma_wait3A_87 : memref<200x64xf32, #tpu.memory_space<hbm>>) dst(%dma_wait3A_84 : memref<200x64xf32, #tpu.memory_space<vmem>>)
      %scan3A_88 = arith.constant 0 : i32
      %scan3A_89 = arith.constant 0 : i32
      %scan3A_90 = arith.constant 200 : i32
      %scan3A_91 = arith.addi %scan3A_89, %scan3A_90 : i32
      %scan3A_92 = arith.constant 4 : i32
      scf.for %scan3A_160 = %scan3A_89 to %scan3A_91 step %scan3A_92  : i32 {
        %get3A = arith.constant 0 : i32
        %get3A_161 = arith.index_cast %get3A : i32 to index
        %get3A_162 = arith.index_cast %scan3A_160 : i32 to index
        %get3A_163 = arith.constant 0 : index
        %get3A_164 = tpu.vector_load %arg6[%get3A_161, %get3A_162, %get3A_163] {strides = array<i32>} : memref<2x200x64xf32, #tpu.memory_space<vmem>>, vector<1x1x16xf32>,
        %get3A_165 = vector.shape_cast %get3A_164 : vector<1x1x16xf32> to vector<16xf32>
        %mul3A_166 = arith.constant 8.000000e+00 : f32
        %mul3A_167 = vector.broadcast %mul3A_166 : f32 to vector<16xf32>
        %mul3A_168 = arith.mulf %get3A_165, %mul3A_167 : vector<16xf32>
        %swap3A = arith.constant 0 : i32
        %swap3A_169 = arith.index_cast %swap3A : i32 to index
        %swap3A_170 = arith.index_cast %scan3A_160 : i32 to index
        %swap3A_171 = arith.constant 0 : index
        %swap3A_172 = tpu.vector_load %arg6[%swap3A_169, %swap3A_170, %swap3A_171] {strides = array<i32>} : memref<2x200x64xf32, #tpu.memory_space<vmem>>, vector<1x1x16xf32>,
        %swap3A_173 = vector.shape_cast %swap3A_172 : vector<1x1x16xf32> to vector<16xf32>
        %swap3A_174 = vector.shape_cast %mul3A_168 : vector<16xf32> to vector<1x1x16xf32>
        tpu.vector_store %arg6[%swap3A_169, %swap3A_170, %swap3A_171], %swap3A_174 {strides = array<i32>} : memref<2x200x64xf32, #tpu.memory_space<vmem>>, vector<1x1x16xf32>,
        %get3A_175 = arith.constant 0 : i32
        %get3A_176 = arith.index_cast %get3A_175 : i32 to index
        %get3A_177 = arith.index_cast %scan3A_160 : i32 to index
        %get3A_178 = arith.constant 16 : index
        %get3A_179 = tpu.vector_load %arg6[%get3A_176, %get3A_177, %get3A_178] {strides = array<i32>} : memref<2x200x64xf32, #tpu.memory_space<vmem>>, vector<1x1x16xf32>,
        %get3A_180 = vector.shape_cast %get3A_179 : vector<1x1x16xf32> to vector<16xf32>
        %mul3A_181 = arith.constant 8.000000e+00 : f32
        %mul3A_182 = vector.broadcast %mul3A_181 : f32 to vector<16xf32>
        %mul3A_183 = arith.mulf %get3A_180, %mul3A_182 : vector<16xf32>
        %swap3A_184 = arith.constant 0 : i32
        %swap3A_185 = arith.index_cast %swap3A_184 : i32 to index
        %swap3A_186 = arith.index_cast %scan3A_160 : i32 to index
        %swap3A_187 = arith.constant 16 : index
        %swap3A_188 = tpu.vector_load %arg6[%swap3A_185, %swap3A_186, %swap3A_187] {strides = array<i32>} : memref<2x200x64xf32, #tpu.memory_space<vmem>>, vector<1x1x16xf32>,
        %swap3A_189 = vector.shape_cast %swap3A_188 : vector<1x1x16xf32> to vector<16xf32>
        %swap3A_190 = vector.shape_cast %mul3A_183 : vector<16xf32> to vector<1x1x16xf32>
        tpu.vector_store %arg6[%swap3A_185, %swap3A_186, %swap3A_187], %swap3A_190 {strides = array<i32>} : memref<2x200x64xf32, #tpu.memory_space<vmem>>, vector<1x1x16xf32>,
        %get3A_191 = arith.constant 0 : i32
        %get3A_192 = arith.index_cast %get3A_191 : i32 to index
        %get3A_193 = arith.index_cast %scan3A_160 : i32 to index
        %get3A_194 = arith.constant 32 : index
        %get3A_195 = tpu.vector_load %arg6[%get3A_192, %get3A_193, %get3A_194] {strides = array<i32>} : memref<2x200x64xf32, #tpu.memory_space<vmem>>, vector<1x1x16xf32>,
        %get3A_196 = vector.shape_cast %get3A_195 : vector<1x1x16xf32> to vector<16xf32>
        %mul3A_197 = arith.constant 8.000000e+00 : f32
        %mul3A_198 = vector.broadcast %mul3A_197 : f32 to vector<16xf32>
        %mul3A_199 = arith.mulf %get3A_196, %mul3A_198 : vector<16xf32>
        %swap3A_200 = arith.constant 0 : i32
        %swap3A_201 = arith.index_cast %swap3A_200 : i32 to index
        %swap3A_202 = arith.index_cast %scan3A_160 : i32 to index
        %swap3A_203 = arith.constant 32 : index
        %swap3A_204 = tpu.vector_load %arg6[%swap3A_201, %swap3A_202, %swap3A_203] {strides = array<i32>} : memref<2x200x64xf32, #tpu.memory_space<vmem>>, vector<1x1x16xf32>,
        %swap3A_205 = vector.shape_cast %swap3A_204 : vector<1x1x16xf32> to vector<16xf32>
        %swap3A_206 = vector.shape_cast %mul3A_199 : vector<16xf32> to vector<1x1x16xf32>
        tpu.vector_store %arg6[%swap3A_201, %swap3A_202, %swap3A_203], %swap3A_206 {strides = array<i32>} : memref<2x200x64xf32, #tpu.memory_space<vmem>>, vector<1x1x16xf32>,
        %get3A_207 = arith.constant 0 : i32
        %get3A_208 = arith.index_cast %get3A_207 : i32 to index
        %get3A_209 = arith.index_cast %scan3A_160 : i32 to index
        %get3A_210 = arith.constant 48 : index
        %get3A_211 = tpu.vector_load %arg6[%get3A_208, %get3A_209, %get3A_210] {strides = array<i32>} : memref<2x200x64xf32, #tpu.memory_space<vmem>>, vector<1x1x16xf32>,
        %get3A_212 = vector.shape_cast %get3A_211 : vector<1x1x16xf32> to vector<16xf32>
        %mul3A_213 = arith.constant 8.000000e+00 : f32
        %mul3A_214 = vector.broadcast %mul3A_213 : f32 to vector<16xf32>
        %mul3A_215 = arith.mulf %get3A_212, %mul3A_214 : vector<16xf32>
        %swap3A_216 = arith.constant 0 : i32
        %swap3A_217 = arith.index_cast %swap3A_216 : i32 to index
        %swap3A_218 = arith.index_cast %scan3A_160 : i32 to index
        %swap3A_219 = arith.constant 48 : index
        %swap3A_220 = tpu.vector_load %arg6[%swap3A_217, %swap3A_218, %swap3A_219] {strides = array<i32>} : memref<2x200x64xf32, #tpu.memory_space<vmem>>, vector<1x1x16xf32>,
        %swap3A_221 = vector.shape_cast %swap3A_220 : vector<1x1x16xf32> to vector<16xf32>
        %swap3A_222 = vector.shape_cast %mul3A_215 : vector<16xf32> to vector<1x1x16xf32>
        tpu.vector_store %arg6[%swap3A_217, %swap3A_218, %swap3A_219], %swap3A_222 {strides = array<i32>} : memref<2x200x64xf32, #tpu.memory_space<vmem>>, vector<1x1x16xf32>,
        %scan3A_223 = arith.constant 1 : i32
        %scan3A_224 = arith.addi %scan3A_160, %scan3A_223 : i32
        %get3A_225 = arith.constant 0 : i32
        %get3A_226 = arith.index_cast %get3A_225 : i32 to index
        %get3A_227 = arith.index_cast %scan3A_224 : i32 to index
        %get3A_228 = arith.constant 0 : index
        %get3A_229 = tpu.vector_load %arg6[%get3A_226, %get3A_227, %get3A_228] {strides = array<i32>} : memref<2x200x64xf32, #tpu.memory_space<vmem>>, vector<1x1x16xf32>,
        %get3A_230 = vector.shape_cast %get3A_229 : vector<1x1x16xf32> to vector<16xf32>
        %mul3A_231 = arith.constant 8.000000e+00 : f32
        %mul3A_232 = vector.broadcast %mul3A_231 : f32 to vector<16xf32>
        %mul3A_233 = arith.mulf %get3A_230, %mul3A_232 : vector<16xf32>
        %swap3A_234 = arith.constant 0 : i32
        %swap3A_235 = arith.index_cast %swap3A_234 : i32 to index
        %swap3A_236 = arith.index_cast %scan3A_224 : i32 to index
        %swap3A_237 = arith.constant 0 : index
        %swap3A_238 = tpu.vector_load %arg6[%swap3A_235, %swap3A_236, %swap3A_237] {strides = array<i32>} : memref<2x200x64xf32, #tpu.memory_space<vmem>>, vector<1x1x16xf32>,
        %swap3A_239 = vector.shape_cast %swap3A_238 : vector<1x1x16xf32> to vector<16xf32>
        %swap3A_240 = vector.shape_cast %mul3A_233 : vector<16xf32> to vector<1x1x16xf32>
        tpu.vector_store %arg6[%swap3A_235, %swap3A_236, %swap3A_237], %swap3A_240 {strides = array<i32>} : memref<2x200x64xf32, #tpu.memory_space<vmem>>, vector<1x1x16xf32>,
        %get3A_241 = arith.constant 0 : i32
        %get3A_242 = arith.index_cast %get3A_241 : i32 to index
        %get3A_243 = arith.index_cast %scan3A_224 : i32 to index
        %get3A_244 = arith.constant 16 : index
        %get3A_245 = tpu.vector_load %arg6[%get3A_242, %get3A_243, %get3A_244] {strides = array<i32>} : memref<2x200x64xf32, #tpu.memory_space<vmem>>, vector<1x1x16xf32>,
        %get3A_246 = vector.shape_cast %get3A_245 : vector<1x1x16xf32> to vector<16xf32>
        %mul3A_247 = arith.constant 8.000000e+00 : f32
        %mul3A_248 = vector.broadcast %mul3A_247 : f32 to vector<16xf32>
        %mul3A_249 = arith.mulf %get3A_246, %mul3A_248 : vector<16xf32>
        %swap3A_250 = arith.constant 0 : i32
        %swap3A_251 = arith.index_cast %swap3A_250 : i32 to index
        %swap3A_252 = arith.index_cast %scan3A_224 : i32 to index
        %swap3A_253 = arith.constant 16 : index
        %swap3A_254 = tpu.vector_load %arg6[%swap3A_251, %swap3A_252, %swap3A_253] {strides = array<i32>} : memref<2x200x64xf32, #tpu.memory_space<vmem>>, vector<1x1x16xf32>,
        %swap3A_255 = vector.shape_cast %swap3A_254 : vector<1x1x16xf32> to vector<16xf32>
        %swap3A_256 = vector.shape_cast %mul3A_249 : vector<16xf32> to vector<1x1x16xf32>
        tpu.vector_store %arg6[%swap3A_251, %swap3A_252, %swap3A_253], %swap3A_256 {strides = array<i32>} : memref<2x200x64xf32, #tpu.memory_space<vmem>>, vector<1x1x16xf32>,
        %get3A_257 = arith.constant 0 : i32
        %get3A_258 = arith.index_cast %get3A_257 : i32 to index
        %get3A_259 = arith.index_cast %scan3A_224 : i32 to index
        %get3A_260 = arith.constant 32 : index
        %get3A_261 = tpu.vector_load %arg6[%get3A_258, %get3A_259, %get3A_260] {strides = array<i32>} : memref<2x200x64xf32, #tpu.memory_space<vmem>>, vector<1x1x16xf32>,
        %get3A_262 = vector.shape_cast %get3A_261 : vector<1x1x16xf32> to vector<16xf32>
        %mul3A_263 = arith.constant 8.000000e+00 : f32
        %mul3A_264 = vector.broadcast %mul3A_263 : f32 to vector<16xf32>
        %mul3A_265 = arith.mulf %get3A_262, %mul3A_264 : vector<16xf32>
        %swap3A_266 = arith.constant 0 : i32
        %swap3A_267 = arith.index_cast %swap3A_266 : i32 to index
        %swap3A_268 = arith.index_cast %scan3A_224 : i32 to index
        %swap3A_269 = arith.constant 32 : index
        %swap3A_270 = tpu.vector_load %arg6[%swap3A_267, %swap3A_268, %swap3A_269] {strides = array<i32>} : memref<2x200x64xf32, #tpu.memory_space<vmem>>, vector<1x1x16xf32>,
        %swap3A_271 = vector.shape_cast %swap3A_270 : vector<1x1x16xf32> to vector<16xf32>
        %swap3A_272 = vector.shape_cast %mul3A_265 : vector<16xf32> to vector<1x1x16xf32>
        tpu.vector_store %arg6[%swap3A_267, %swap3A_268, %swap3A_269], %swap3A_272 {strides = array<i32>} : memref<2x200x64xf32, #tpu.memory_space<vmem>>, vector<1x1x16xf32>,
        %get3A_273 = arith.constant 0 : i32
        %get3A_274 = arith.index_cast %get3A_273 : i32 to index
        %get3A_275 = arith.index_cast %scan3A_224 : i32 to index
        %get3A_276 = arith.constant 48 : index
        %get3A_277 = tpu.vector_load %arg6[%get3A_274, %get3A_275, %get3A_276] {strides = array<i32>} : memref<2x200x64xf32, #tpu.memory_space<vmem>>, vector<1x1x16xf32>,
        %get3A_278 = vector.shape_cast %get3A_277 : vector<1x1x16xf32> to vector<16xf32>
        %mul3A_279 = arith.constant 8.000000e+00 : f32
        %mul3A_280 = vector.broadcast %mul3A_279 : f32 to vector<16xf32>
        %mul3A_281 = arith.mulf %get3A_278, %mul3A_280 : vector<16xf32>
        %swap3A_282 = arith.constant 0 : i32
        %swap3A_283 = arith.index_cast %swap3A_282 : i32 to index
        %swap3A_284 = arith.index_cast %scan3A_224 : i32 to index
        %swap3A_285 = arith.constant 48 : index
        %swap3A_286 = tpu.vector_load %arg6[%swap3A_283, %swap3A_284, %swap3A_285] {strides = array<i32>} : memref<2x200x64xf32, #tpu.memory_space<vmem>>, vector<1x1x16xf32>,
        %swap3A_287 = vector.shape_cast %swap3A_286 : vector<1x1x16xf32> to vector<16xf32>
        %swap3A_288 = vector.shape_cast %mul3A_281 : vector<16xf32> to vector<1x1x16xf32>
        tpu.vector_store %arg6[%swap3A_283, %swap3A_284, %swap3A_285], %swap3A_288 {strides = array<i32>} : memref<2x200x64xf32, #tpu.memory_space<vmem>>, vector<1x1x16xf32>,
        %scan3A_289 = arith.constant 2 : i32
        %scan3A_290 = arith.addi %scan3A_160, %scan3A_289 : i32
        %get3A_291 = arith.constant 0 : i32
        %get3A_292 = arith.index_cast %get3A_291 : i32 to index
        %get3A_293 = arith.index_cast %scan3A_290 : i32 to index
        %get3A_294 = arith.constant 0 : index
        %get3A_295 = tpu.vector_load %arg6[%get3A_292, %get3A_293, %get3A_294] {strides = array<i32>} : memref<2x200x64xf32, #tpu.memory_space<vmem>>, vector<1x1x16xf32>,
        %get3A_296 = vector.shape_cast %get3A_295 : vector<1x1x16xf32> to vector<16xf32>
        %mul3A_297 = arith.constant 8.000000e+00 : f32
        %mul3A_298 = vector.broadcast %mul3A_297 : f32 to vector<16xf32>
        %mul3A_299 = arith.mulf %get3A_296, %mul3A_298 : vector<16xf32>
        %swap3A_300 = arith.constant 0 : i32
        %swap3A_301 = arith.index_cast %swap3A_300 : i32 to index
        %swap3A_302 = arith.index_cast %scan3A_290 : i32 to index
        %swap3A_303 = arith.constant 0 : index
        %swap3A_304 = tpu.vector_load %arg6[%swap3A_301, %swap3A_302, %swap3A_303] {strides = array<i32>} : memref<2x200x64xf32, #tpu.memory_space<vmem>>, vector<1x1x16xf32>,
        %swap3A_305 = vector.shape_cast %swap3A_304 : vector<1x1x16xf32> to vector<16xf32>
        %swap3A_306 = vector.shape_cast %mul3A_299 : vector<16xf32> to vector<1x1x16xf32>
        tpu.vector_store %arg6[%swap3A_301, %swap3A_302, %swap3A_303], %swap3A_306 {strides = array<i32>} : memref<2x200x64xf32, #tpu.memory_space<vmem>>, vector<1x1x16xf32>,
        %get3A_307 = arith.constant 0 : i32
        %get3A_308 = arith.index_cast %get3A_307 : i32 to index
        %get3A_309 = arith.index_cast %scan3A_290 : i32 to index
        %get3A_310 = arith.constant 16 : index
        %get3A_311 = tpu.vector_load %arg6[%get3A_308, %get3A_309, %get3A_310] {strides = array<i32>} : memref<2x200x64xf32, #tpu.memory_space<vmem>>, vector<1x1x16xf32>,
        %get3A_312 = vector.shape_cast %get3A_311 : vector<1x1x16xf32> to vector<16xf32>
        %mul3A_313 = arith.constant 8.000000e+00 : f32
        %mul3A_314 = vector.broadcast %mul3A_313 : f32 to vector<16xf32>
        %mul3A_315 = arith.mulf %get3A_312, %mul3A_314 : vector<16xf32>
        %swap3A_316 = arith.constant 0 : i32
        %swap3A_317 = arith.index_cast %swap3A_316 : i32 to index
        %swap3A_318 = arith.index_cast %scan3A_290 : i32 to index
        %swap3A_319 = arith.constant 16 : index
        %swap3A_320 = tpu.vector_load %arg6[%swap3A_317, %swap3A_318, %swap3A_319] {strides = array<i32>} : memref<2x200x64xf32, #tpu.memory_space<vmem>>, vector<1x1x16xf32>,
        %swap3A_321 = vector.shape_cast %swap3A_320 : vector<1x1x16xf32> to vector<16xf32>
        %swap3A_322 = vector.shape_cast %mul3A_315 : vector<16xf32> to vector<1x1x16xf32>
        tpu.vector_store %arg6[%swap3A_317, %swap3A_318, %swap3A_319], %swap3A_322 {strides = array<i32>} : memref<2x200x64xf32, #tpu.memory_space<vmem>>, vector<1x1x16xf32>,
        %get3A_323 = arith.constant 0 : i32
        %get3A_324 = arith.index_cast %get3A_323 : i32 to index
        %get3A_325 = arith.index_cast %scan3A_290 : i32 to index
        %get3A_326 = arith.constant 32 : index
        %get3A_327 = tpu.vector_load %arg6[%get3A_324, %get3A_325, %get3A_326] {strides = array<i32>} : memref<2x200x64xf32, #tpu.memory_space<vmem>>, vector<1x1x16xf32>,
        %get3A_328 = vector.shape_cast %get3A_327 : vector<1x1x16xf32> to vector<16xf32>
        %mul3A_329 = arith.constant 8.000000e+00 : f32
        %mul3A_330 = vector.broadcast %mul3A_329 : f32 to vector<16xf32>
        %mul3A_331 = arith.mulf %get3A_328, %mul3A_330 : vector<16xf32>
        %swap3A_332 = arith.constant 0 : i32
        %swap3A_333 = arith.index_cast %swap3A_332 : i32 to index
        %swap3A_334 = arith.index_cast %scan3A_290 : i32 to index
        %swap3A_335 = arith.constant 32 : index
        %swap3A_336 = tpu.vector_load %arg6[%swap3A_333, %swap3A_334, %swap3A_335] {strides = array<i32>} : memref<2x200x64xf32, #tpu.memory_space<vmem>>, vector<1x1x16xf32>,
        %swap3A_337 = vector.shape_cast %swap3A_336 : vector<1x1x16xf32> to vector<16xf32>
        %swap3A_338 = vector.shape_cast %mul3A_331 : vector<16xf32> to vector<1x1x16xf32>
        tpu.vector_store %arg6[%swap3A_333, %swap3A_334, %swap3A_335], %swap3A_338 {strides = array<i32>} : memref<2x200x64xf32, #tpu.memory_space<vmem>>, vector<1x1x16xf32>,
        %get3A_339 = arith.constant 0 : i32
        %get3A_340 = arith.index_cast %get3A_339 : i32 to index
        %get3A_341 = arith.index_cast %scan3A_290 : i32 to index
        %get3A_342 = arith.constant 48 : index
        %get3A_343 = tpu.vector_load %arg6[%get3A_340, %get3A_341, %get3A_342] {strides = array<i32>} : memref<2x200x64xf32, #tpu.memory_space<vmem>>, vector<1x1x16xf32>,
        %get3A_344 = vector.shape_cast %get3A_343 : vector<1x1x16xf32> to vector<16xf32>
        %mul3A_345 = arith.constant 8.000000e+00 : f32
        %mul3A_346 = vector.broadcast %mul3A_345 : f32 to vector<16xf32>
        %mul3A_347 = arith.mulf %get3A_344, %mul3A_346 : vector<16xf32>
        %swap3A_348 = arith.constant 0 : i32
        %swap3A_349 = arith.index_cast %swap3A_348 : i32 to index
        %swap3A_350 = arith.index_cast %scan3A_290 : i32 to index
        %swap3A_351 = arith.constant 48 : index
        %swap3A_352 = tpu.vector_load %arg6[%swap3A_349, %swap3A_350, %swap3A_351] {strides = array<i32>} : memref<2x200x64xf32, #tpu.memory_space<vmem>>, vector<1x1x16xf32>,
        %swap3A_353 = vector.shape_cast %swap3A_352 : vector<1x1x16xf32> to vector<16xf32>
        %swap3A_354 = vector.shape_cast %mul3A_347 : vector<16xf32> to vector<1x1x16xf32>
        tpu.vector_store %arg6[%swap3A_349, %swap3A_350, %swap3A_351], %swap3A_354 {strides = array<i32>} : memref<2x200x64xf32, #tpu.memory_space<vmem>>, vector<1x1x16xf32>,
        %scan3A_355 = arith.constant 3 : i32
        %scan3A_356 = arith.addi %scan3A_160, %scan3A_355 : i32
        %get3A_357 = arith.constant 0 : i32
        %get3A_358 = arith.index_cast %get3A_357 : i32 to index
        %get3A_359 = arith.index_cast %scan3A_356 : i32 to index
        %get3A_360 = arith.constant 0 : index
        %get3A_361 = tpu.vector_load %arg6[%get3A_358, %get3A_359, %get3A_360] {strides = array<i32>} : memref<2x200x64xf32, #tpu.memory_space<vmem>>, vector<1x1x16xf32>,
        %get3A_362 = vector.shape_cast %get3A_361 : vector<1x1x16xf32> to vector<16xf32>
        %mul3A_363 = arith.constant 8.000000e+00 : f32
        %mul3A_364 = vector.broadcast %mul3A_363 : f32 to vector<16xf32>
        %mul3A_365 = arith.mulf %get3A_362, %mul3A_364 : vector<16xf32>
        %swap3A_366 = arith.constant 0 : i32
        %swap3A_367 = arith.index_cast %swap3A_366 : i32 to index
        %swap3A_368 = arith.index_cast %scan3A_356 : i32 to index
        %swap3A_369 = arith.constant 0 : index
        %swap3A_370 = tpu.vector_load %arg6[%swap3A_367, %swap3A_368, %swap3A_369] {strides = array<i32>} : memref<2x200x64xf32, #tpu.memory_space<vmem>>, vector<1x1x16xf32>,
        %swap3A_371 = vector.shape_cast %swap3A_370 : vector<1x1x16xf32> to vector<16xf32>
        %swap3A_372 = vector.shape_cast %mul3A_365 : vector<16xf32> to vector<1x1x16xf32>
        tpu.vector_store %arg6[%swap3A_367, %swap3A_368, %swap3A_369], %swap3A_372 {strides = array<i32>} : memref<2x200x64xf32, #tpu.memory_space<vmem>>, vector<1x1x16xf32>,
        %get3A_373 = arith.constant 0 : i32
        %get3A_374 = arith.index_cast %get3A_373 : i32 to index
        %get3A_375 = arith.index_cast %scan3A_356 : i32 to index
        %get3A_376 = arith.constant 16 : index
        %get3A_377 = tpu.vector_load %arg6[%get3A_374, %get3A_375, %get3A_376] {strides = array<i32>} : memref<2x200x64xf32, #tpu.memory_space<vmem>>, vector<1x1x16xf32>,
        %get3A_378 = vector.shape_cast %get3A_377 : vector<1x1x16xf32> to vector<16xf32>
        %mul3A_379 = arith.constant 8.000000e+00 : f32
        %mul3A_380 = vector.broadcast %mul3A_379 : f32 to vector<16xf32>
        %mul3A_381 = arith.mulf %get3A_378, %mul3A_380 : vector<16xf32>
        %swap3A_382 = arith.constant 0 : i32
        %swap3A_383 = arith.index_cast %swap3A_382 : i32 to index
        %swap3A_384 = arith.index_cast %scan3A_356 : i32 to index
        %swap3A_385 = arith.constant 16 : index
        %swap3A_386 = tpu.vector_load %arg6[%swap3A_383, %swap3A_384, %swap3A_385] {strides = array<i32>} : memref<2x200x64xf32, #tpu.memory_space<vmem>>, vector<1x1x16xf32>,
        %swap3A_387 = vector.shape_cast %swap3A_386 : vector<1x1x16xf32> to vector<16xf32>
        %swap3A_388 = vector.shape_cast %mul3A_381 : vector<16xf32> to vector<1x1x16xf32>
        tpu.vector_store %arg6[%swap3A_383, %swap3A_384, %swap3A_385], %swap3A_388 {strides = array<i32>} : memref<2x200x64xf32, #tpu.memory_space<vmem>>, vector<1x1x16xf32>,
        %get3A_389 = arith.constant 0 : i32
        %get3A_390 = arith.index_cast %get3A_389 : i32 to index
        %get3A_391 = arith.index_cast %scan3A_356 : i32 to index
        %get3A_392 = arith.constant 32 : index
        %get3A_393 = tpu.vector_load %arg6[%get3A_390, %get3A_391, %get3A_392] {strides = array<i32>} : memref<2x200x64xf32, #tpu.memory_space<vmem>>, vector<1x1x16xf32>,
        %get3A_394 = vector.shape_cast %get3A_393 : vector<1x1x16xf32> to vector<16xf32>
        %mul3A_395 = arith.constant 8.000000e+00 : f32
        %mul3A_396 = vector.broadcast %mul3A_395 : f32 to vector<16xf32>
        %mul3A_397 = arith.mulf %get3A_394, %mul3A_396 : vector<16xf32>
        %swap3A_398 = arith.constant 0 : i32
        %swap3A_399 = arith.index_cast %swap3A_398 : i32 to index
        %swap3A_400 = arith.index_cast %scan3A_356 : i32 to index
        %swap3A_401 = arith.constant 32 : index
        %swap3A_402 = tpu.vector_load %arg6[%swap3A_399, %swap3A_400, %swap3A_401] {strides = array<i32>} : memref<2x200x64xf32, #tpu.memory_space<vmem>>, vector<1x1x16xf32>,
        %swap3A_403 = vector.shape_cast %swap3A_402 : vector<1x1x16xf32> to vector<16xf32>
        %swap3A_404 = vector.shape_cast %mul3A_397 : vector<16xf32> to vector<1x1x16xf32>
        tpu.vector_store %arg6[%swap3A_399, %swap3A_400, %swap3A_401], %swap3A_404 {strides = array<i32>} : memref<2x200x64xf32, #tpu.memory_space<vmem>>, vector<1x1x16xf32>,
        %get3A_405 = arith.constant 0 : i32
        %get3A_406 = arith.index_cast %get3A_405 : i32 to index
        %get3A_407 = arith.index_cast %scan3A_356 : i32 to index
        %get3A_408 = arith.constant 48 : index
        %get3A_409 = tpu.vector_load %arg6[%get3A_406, %get3A_407, %get3A_408] {strides = array<i32>} : memref<2x200x64xf32, #tpu.memory_space<vmem>>, vector<1x1x16xf32>,
        %get3A_410 = vector.shape_cast %get3A_409 : vector<1x1x16xf32> to vector<16xf32>
        %mul3A_411 = arith.constant 8.000000e+00 : f32
        %mul3A_412 = vector.broadcast %mul3A_411 : f32 to vector<16xf32>
        %mul3A_413 = arith.mulf %get3A_410, %mul3A_412 : vector<16xf32>
        %swap3A_414 = arith.constant 0 : i32
        %swap3A_415 = arith.index_cast %swap3A_414 : i32 to index
        %swap3A_416 = arith.index_cast %scan3A_356 : i32 to index
        %swap3A_417 = arith.constant 48 : index
        %swap3A_418 = tpu.vector_load %arg6[%swap3A_415, %swap3A_416, %swap3A_417] {strides = array<i32>} : memref<2x200x64xf32, #tpu.memory_space<vmem>>, vector<1x1x16xf32>,
        %swap3A_419 = vector.shape_cast %swap3A_418 : vector<1x1x16xf32> to vector<16xf32>
        %swap3A_420 = vector.shape_cast %mul3A_413 : vector<16xf32> to vector<1x1x16xf32>
        tpu.vector_store %arg6[%swap3A_415, %swap3A_416, %swap3A_417], %swap3A_420 {strides = array<i32>} : memref<2x200x64xf32, #tpu.memory_space<vmem>>, vector<1x1x16xf32>,
      }
      %scan3A_93 = arith.constant 200 : i32
      %add3A_94 = arith.addi %mul3A_2, %add3A_70 : i32
      %dma_start3A_95 = arith.constant 0 : i32
      %dma_start3A_96 = arith.constant 0 : i32
      %dma_start3A_97 = arith.constant 0 : i32
      %dma_start3A_98 = tpu.memref_slice %arg6[%dma_start3A_95, %dma_start3A_96, %dma_start3A_97] : memref<2x200x64xf32, #tpu.memory_space<vmem>> -> memref<1x200x64xf32, #tpu.memory_space<vmem>>
      %dma_start3A_99 = tpu.memref_squeeze %dma_start3A_98 : memref<1x200x64xf32, #tpu.memory_space<vmem>> -> memref<200x64xf32, #tpu.memory_space<vmem>>
      %dma_start3A_100 = arith.constant 0 : i32
      %dma_start3A_101 = arith.constant 0 : i32
      %dma_start3A_102 = tpu.memref_slice %arg4[%add3A_94, %dma_start3A_100, %dma_start3A_101] : memref<4096x200x64xf32, #tpu.memory_space<hbm>> -> memref<1x200x64xf32, #tpu.memory_space<hbm>>
      %dma_start3A_103 = tpu.memref_squeeze %dma_start3A_102 : memref<1x200x64xf32, #tpu.memory_space<hbm>> -> memref<200x64xf32, #tpu.memory_space<hbm>>
      %dma_start3A_104 = arith.constant 0 : i32
      %dma_start3A_105 = arith.constant 0 : i32
      %dma_start3A_106 = tpu.memref_slice %arg4[%add3A_94, %dma_start3A_104, %dma_start3A_105] : memref<4096x200x64xf32, #tpu.memory_space<hbm>> -> memref<1x200x64xf32, #tpu.memory_space<hbm>>
      %dma_start3A_107 = tpu.memref_squeeze %dma_start3A_106 : memref<1x200x64xf32, #tpu.memory_space<hbm>> -> memref<200x64xf32, #tpu.memory_space<hbm>>
      %dma_start3A_108 = arith.constant 0 : i32
      %dma_start3A_109 = arith.constant 0 : i32
      %dma_start3A_110 = tpu.memref_slice %arg6[%dma_start3A_95, %dma_start3A_108, %dma_start3A_109] : memref<2x200x64xf32, #tpu.memory_space<vmem>> -> memref<1x200x64xf32, #tpu.memory_space<vmem>>
      %dma_start3A_111 = tpu.memref_squeeze %dma_start3A_110 : memref<1x200x64xf32, #tpu.memory_space<vmem>> -> memref<200x64xf32, #tpu.memory_space<vmem>>
      tpu.enqueue_dma source(%dma_start3A_111 : memref<200x64xf32, #tpu.memory_space<vmem>>) target(%dma_start3A_107 : memref<200x64xf32, #tpu.memory_space<hbm>>) target_semaphore(%arg9 : memref<!tpu.dma_semaphore, #tpu.memory_space<semaphore_mem>>)
      %mul3A_112 = arith.constant 2 : i32
      %mul3A_113 = arith.muli %mul3A_112, %scan3A_66 : i32
      %add3A_114 = arith.constant 1 : i32
      %add3A_115 = arith.addi %mul3A_113, %add3A_114 : i32
      %lt3A_116 = arith.constant 127 : i32
      %lt3A_117 = arith.cmpi slt, %add3A_115, %lt3A_116 : i32
      %convert_element_type3A_118 = arith.extui %lt3A_117 : i1 to i32
      %cond3A_119 = arith.constant 0 : i32
      %cond3A_120 = arith.cmpi ne, %convert_element_type3A_118, %cond3A_119 : i32
      scf.if %cond3A_120 {
        %ge3A = arith.constant 1 : i32
        %ge3A_160 = arith.cmpi sge, %add3A_115, %ge3A : i32
        %convert_element_type3A_161 = arith.extui %ge3A_160 : i1 to i32
        %cond3A_162 = arith.constant 0 : i32
        %cond3A_163 = arith.cmpi ne, %convert_element_type3A_161, %cond3A_162 : i32
        scf.if %cond3A_163 {
          %dma_wait3A_194 = arith.constant 0 : i32
          %dma_wait3A_195 = arith.constant 0 : i32
          %dma_wait3A_196 = arith.constant 0 : i32
          %dma_wait3A_197 = tpu.memref_slice %arg6[%dma_wait3A_194, %dma_wait3A_195, %dma_wait3A_196] : memref<2x200x64xf32, #tpu.memory_space<vmem>> -> memref<1x200x64xf32, #tpu.memory_space<vmem>>
          %dma_wait3A_198 = tpu.memref_squeeze %dma_wait3A_197 : memref<1x200x64xf32, #tpu.memory_space<vmem>> -> memref<200x64xf32, #tpu.memory_space<vmem>>
          %dma_wait3A_199 = arith.constant 0 : i32
          %dma_wait3A_200 = arith.constant 0 : i32
          %dma_wait3A_201 = tpu.memref_slice %arg3[%dma_wait3A_199, %dma_wait3A_200] : memref<1000000x64xf32, #tpu.memory_space<hbm>> -> memref<200x64xf32, #tpu.memory_space<hbm>>
          %dma_wait3A_202 = arith.constant 0 : i32
          %dma_wait3A_203 = arith.constant 0 : i32
          %dma_wait3A_204 = tpu.memref_slice %arg6[%dma_wait3A_194, %dma_wait3A_202, %dma_wait3A_203] : memref<2x200x64xf32, #tpu.memory_space<vmem>> -> memref<1x200x64xf32, #tpu.memory_space<vmem>>
          %dma_wait3A_205 = tpu.memref_squeeze %dma_wait3A_204 : memref<1x200x64xf32, #tpu.memory_space<vmem>> -> memref<200x64xf32, #tpu.memory_space<vmem>>
          %dma_wait3A_206 = arith.constant 0 : i32
          %dma_wait3A_207 = arith.constant 0 : i32
          %dma_wait3A_208 = tpu.memref_slice %arg3[%dma_wait3A_206, %dma_wait3A_207] : memref<1000000x64xf32, #tpu.memory_space<hbm>> -> memref<200x64xf32, #tpu.memory_space<hbm>>
          tpu.wait_dma2 semaphore(%arg9 : memref<!tpu.dma_semaphore, #tpu.memory_space<semaphore_mem>>) src(%dma_wait3A_208 : memref<200x64xf32, #tpu.memory_space<hbm>>) dst(%dma_wait3A_205 : memref<200x64xf32, #tpu.memory_space<vmem>>)
        } else {
        }
        %add3A_164 = arith.constant 1 : i32
        %add3A_165 = arith.addi %add3A_115, %add3A_164 : i32
        %dma_start3A_166 = arith.constant 0 : i32
        %dma_start3A_167 = arith.constant 0 : i32
        %dma_start3A_168 = arith.constant 0 : i32
        %dma_start3A_169 = tpu.memref_slice %arg6[%dma_start3A_166, %dma_start3A_167, %dma_start3A_168] : memref<2x200x64xf32, #tpu.memory_space<vmem>> -> memref<1x200x64xf32, #tpu.memory_space<vmem>>
        %dma_start3A_170 = tpu.memref_squeeze %dma_start3A_169 : memref<1x200x64xf32, #tpu.memory_space<vmem>> -> memref<200x64xf32, #tpu.memory_space<vmem>>
        %dma_start3A_171 = arith.constant 0 : i32
        %dma_start3A_172 = arith.constant 0 : i32
        %dma_start3A_173 = tpu.memref_slice %dma_start3A_170[%dma_start3A_171, %dma_start3A_172] : memref<200x64xf32, #tpu.memory_space<vmem>> -> memref<128x64xf32, #tpu.memory_space<vmem>>
        %dma_start3A_174 = arith.constant 0 : i32
        %dma_start3A_175 = tpu.memref_slice %arg5[%add3A_165, %dma_start3A_174] : memref<128x200xi32, #tpu.memory_space<vmem>> -> memref<1x128xi32, #tpu.memory_space<vmem>>
        %dma_start3A_176 = tpu.memref_squeeze %dma_start3A_175 : memref<1x128xi32, #tpu.memory_space<vmem>> -> memref<128xi32, #tpu.memory_space<vmem>>
        %dma_start3A_177 = arith.constant 0 : i32
        %dma_start3A_178 = arith.constant 0 : i32
        %dma_start3A_179 = tpu.memref_slice %arg3[%dma_start3A_177, %dma_start3A_178] : memref<1000000x64xf32, #tpu.memory_space<hbm>> -> memref<1000000x64xf32, #tpu.memory_space<hbm>>
        tpu.enqueue_indirect_dma source(%dma_start3A_179 : memref<1000000x64xf32, #tpu.memory_space<hbm>>) target(%dma_start3A_173 : memref<128x64xf32, #tpu.memory_space<vmem>>) offsets(%dma_start3A_176 : memref<128xi32, #tpu.memory_space<vmem>>) semaphore(%arg7 : memref<!tpu.dma_semaphore, #tpu.memory_space<semaphore_mem>>)
        %dma_start3A_180 = arith.constant 0 : i32
        %dma_start3A_181 = arith.constant 0 : i32
        %dma_start3A_182 = arith.constant 0 : i32
        %dma_start3A_183 = tpu.memref_slice %arg6[%dma_start3A_180, %dma_start3A_181, %dma_start3A_182] : memref<2x200x64xf32, #tpu.memory_space<vmem>> -> memref<1x200x64xf32, #tpu.memory_space<vmem>>
        %dma_start3A_184 = tpu.memref_squeeze %dma_start3A_183 : memref<1x200x64xf32, #tpu.memory_space<vmem>> -> memref<200x64xf32, #tpu.memory_space<vmem>>
        %dma_start3A_185 = arith.constant 128 : i32
        %dma_start3A_186 = arith.constant 0 : i32
        %dma_start3A_187 = tpu.memref_slice %dma_start3A_184[%dma_start3A_185, %dma_start3A_186] : memref<200x64xf32, #tpu.memory_space<vmem>> -> memref<72x64xf32, #tpu.memory_space<vmem>>
        %dma_start3A_188 = arith.constant 128 : i32
        %dma_start3A_189 = tpu.memref_slice %arg5[%add3A_165, %dma_start3A_188] : memref<128x200xi32, #tpu.memory_space<vmem>> -> memref<1x72xi32, #tpu.memory_space<vmem>>
        %dma_start3A_190 = tpu.memref_squeeze %dma_start3A_189 : memref<1x72xi32, #tpu.memory_space<vmem>> -> memref<72xi32, #tpu.memory_space<vmem>>
        %dma_start3A_191 = arith.constant 0 : i32
        %dma_start3A_192 = arith.constant 0 : i32
        %dma_start3A_193 = tpu.memref_slice %arg3[%dma_start3A_191, %dma_start3A_192] : memref<1000000x64xf32, #tpu.memory_space<hbm>> -> memref<1000000x64xf32, #tpu.memory_space<hbm>>
        tpu.enqueue_indirect_dma source(%dma_start3A_193 : memref<1000000x64xf32, #tpu.memory_space<hbm>>) target(%dma_start3A_187 : memref<72x64xf32, #tpu.memory_space<vmem>>) offsets(%dma_start3A_190 : memref<72xi32, #tpu.memory_space<vmem>>) semaphore(%arg7 : memref<!tpu.dma_semaphore, #tpu.memory_space<semaphore_mem>>)
      } else {
      }
      %dma_wait3A_121 = arith.constant 0 : i32
      %dma_wait3A_122 = arith.constant 0 : i32
      %dma_wait3A_123 = arith.constant 0 : i32
      %dma_wait3A_124 = tpu.memref_slice %arg6[%dma_wait3A_121, %dma_wait3A_122, %dma_wait3A_123] : memref<2x200x64xf32, #tpu.memory_space<vmem>> -> memref<1x200x64xf32, #tpu.memory_space<vmem>>
      %dma_wait3A_125 = tpu.memref_squeeze %dma_wait3A_124 : memref<1x200x64xf32, #tpu.memory_space<vmem>> -> memref<200x64xf32, #tpu.memory_space<vmem>>
      %dma_wait3A_126 = arith.constant 0 : i32
      %dma_wait3A_127 = arith.constant 0 : i32
      %dma_wait3A_128 = tpu.memref_slice %arg3[%dma_wait3A_126, %dma_wait3A_127] : memref<1000000x64xf32, #tpu.memory_space<hbm>> -> memref<200x64xf32, #tpu.memory_space<hbm>>
      %dma_wait3A_129 = arith.constant 0 : i32
      %dma_wait3A_130 = arith.constant 0 : i32
      %dma_wait3A_131 = tpu.memref_slice %arg6[%dma_wait3A_121, %dma_wait3A_129, %dma_wait3A_130] : memref<2x200x64xf32, #tpu.memory_space<vmem>> -> memref<1x200x64xf32, #tpu.memory_space<vmem>>
      %dma_wait3A_132 = tpu.memref_squeeze %dma_wait3A_131 : memref<1x200x64xf32, #tpu.memory_space<vmem>> -> memref<200x64xf32, #tpu.memory_space<vmem>>
      %dma_wait3A_133 = arith.constant 0 : i32
      %dma_wait3A_134 = arith.constant 0 : i32
      %dma_wait3A_135 = tpu.memref_slice %arg3[%dma_wait3A_133, %dma_wait3A_134] : memref<1000000x64xf32, #tpu.memory_space<hbm>> -> memref<200x64xf32, #tpu.memory_space<hbm>>
      tpu.wait_dma2 semaphore(%arg8 : memref<!tpu.dma_semaphore, #tpu.memory_space<semaphore_mem>>) src(%dma_wait3A_135 : memref<200x64xf32, #tpu.memory_space<hbm>>) dst(%dma_wait3A_132 : memref<200x64xf32, #tpu.memory_space<vmem>>)
      %scan3A_136 = arith.constant 0 : i32
      %scan3A_137 = arith.constant 0 : i32
      %scan3A_138 = arith.constant 200 : i32
      %scan3A_139 = arith.addi %scan3A_137, %scan3A_138 : i32
      %scan3A_140 = arith.constant 4 : i32
      scf.for %scan3A_160 = %scan3A_137 to %scan3A_139 step %scan3A_140  : i32 {
        %get3A = arith.constant 1 : i32
        %get3A_161 = arith.index_cast %get3A : i32 to index
        %get3A_162 = arith.index_cast %scan3A_160 : i32 to index
        %get3A_163 = arith.constant 0 : index
        %get3A_164 = tpu.vector_load %arg6[%get3A_161, %get3A_162, %get3A_163] {strides = array<i32>} : memref<2x200x64xf32, #tpu.memory_space<vmem>>, vector<1x1x16xf32>,
        %get3A_165 = vector.shape_cast %get3A_164 : vector<1x1x16xf32> to vector<16xf32>
        %mul3A_166 = arith.constant 8.000000e+00 : f32
        %mul3A_167 = vector.broadcast %mul3A_166 : f32 to vector<16xf32>
        %mul3A_168 = arith.mulf %get3A_165, %mul3A_167 : vector<16xf32>
        %swap3A = arith.constant 1 : i32
        %swap3A_169 = arith.index_cast %swap3A : i32 to index
        %swap3A_170 = arith.index_cast %scan3A_160 : i32 to index
        %swap3A_171 = arith.constant 0 : index
        %swap3A_172 = tpu.vector_load %arg6[%swap3A_169, %swap3A_170, %swap3A_171] {strides = array<i32>} : memref<2x200x64xf32, #tpu.memory_space<vmem>>, vector<1x1x16xf32>,
        %swap3A_173 = vector.shape_cast %swap3A_172 : vector<1x1x16xf32> to vector<16xf32>
        %swap3A_174 = vector.shape_cast %mul3A_168 : vector<16xf32> to vector<1x1x16xf32>
        tpu.vector_store %arg6[%swap3A_169, %swap3A_170, %swap3A_171], %swap3A_174 {strides = array<i32>} : memref<2x200x64xf32, #tpu.memory_space<vmem>>, vector<1x1x16xf32>,
        %get3A_175 = arith.constant 1 : i32
        %get3A_176 = arith.index_cast %get3A_175 : i32 to index
        %get3A_177 = arith.index_cast %scan3A_160 : i32 to index
        %get3A_178 = arith.constant 16 : index
        %get3A_179 = tpu.vector_load %arg6[%get3A_176, %get3A_177, %get3A_178] {strides = array<i32>} : memref<2x200x64xf32, #tpu.memory_space<vmem>>, vector<1x1x16xf32>,
        %get3A_180 = vector.shape_cast %get3A_179 : vector<1x1x16xf32> to vector<16xf32>
        %mul3A_181 = arith.constant 8.000000e+00 : f32
        %mul3A_182 = vector.broadcast %mul3A_181 : f32 to vector<16xf32>
        %mul3A_183 = arith.mulf %get3A_180, %mul3A_182 : vector<16xf32>
        %swap3A_184 = arith.constant 1 : i32
        %swap3A_185 = arith.index_cast %swap3A_184 : i32 to index
        %swap3A_186 = arith.index_cast %scan3A_160 : i32 to index
        %swap3A_187 = arith.constant 16 : index
        %swap3A_188 = tpu.vector_load %arg6[%swap3A_185, %swap3A_186, %swap3A_187] {strides = array<i32>} : memref<2x200x64xf32, #tpu.memory_space<vmem>>, vector<1x1x16xf32>,
        %swap3A_189 = vector.shape_cast %swap3A_188 : vector<1x1x16xf32> to vector<16xf32>
        %swap3A_190 = vector.shape_cast %mul3A_183 : vector<16xf32> to vector<1x1x16xf32>
        tpu.vector_store %arg6[%swap3A_185, %swap3A_186, %swap3A_187], %swap3A_190 {strides = array<i32>} : memref<2x200x64xf32, #tpu.memory_space<vmem>>, vector<1x1x16xf32>,
        %get3A_191 = arith.constant 1 : i32
        %get3A_192 = arith.index_cast %get3A_191 : i32 to index
        %get3A_193 = arith.index_cast %scan3A_160 : i32 to index
        %get3A_194 = arith.constant 32 : index
        %get3A_195 = tpu.vector_load %arg6[%get3A_192, %get3A_193, %get3A_194] {strides = array<i32>} : memref<2x200x64xf32, #tpu.memory_space<vmem>>, vector<1x1x16xf32>,
        %get3A_196 = vector.shape_cast %get3A_195 : vector<1x1x16xf32> to vector<16xf32>
        %mul3A_197 = arith.constant 8.000000e+00 : f32
        %mul3A_198 = vector.broadcast %mul3A_197 : f32 to vector<16xf32>
        %mul3A_199 = arith.mulf %get3A_196, %mul3A_198 : vector<16xf32>
        %swap3A_200 = arith.constant 1 : i32
        %swap3A_201 = arith.index_cast %swap3A_200 : i32 to index
        %swap3A_202 = arith.index_cast %scan3A_160 : i32 to index
        %swap3A_203 = arith.constant 32 : index
        %swap3A_204 = tpu.vector_load %arg6[%swap3A_201, %swap3A_202, %swap3A_203] {strides = array<i32>} : memref<2x200x64xf32, #tpu.memory_space<vmem>>, vector<1x1x16xf32>,
        %swap3A_205 = vector.shape_cast %swap3A_204 : vector<1x1x16xf32> to vector<16xf32>
        %swap3A_206 = vector.shape_cast %mul3A_199 : vector<16xf32> to vector<1x1x16xf32>
        tpu.vector_store %arg6[%swap3A_201, %swap3A_202, %swap3A_203], %swap3A_206 {strides = array<i32>} : memref<2x200x64xf32, #tpu.memory_space<vmem>>, vector<1x1x16xf32>,
        %get3A_207 = arith.constant 1 : i32
        %get3A_208 = arith.index_cast %get3A_207 : i32 to index
        %get3A_209 = arith.index_cast %scan3A_160 : i32 to index
        %get3A_210 = arith.constant 48 : index
        %get3A_211 = tpu.vector_load %arg6[%get3A_208, %get3A_209, %get3A_210] {strides = array<i32>} : memref<2x200x64xf32, #tpu.memory_space<vmem>>, vector<1x1x16xf32>,
        %get3A_212 = vector.shape_cast %get3A_211 : vector<1x1x16xf32> to vector<16xf32>
        %mul3A_213 = arith.constant 8.000000e+00 : f32
        %mul3A_214 = vector.broadcast %mul3A_213 : f32 to vector<16xf32>
        %mul3A_215 = arith.mulf %get3A_212, %mul3A_214 : vector<16xf32>
        %swap3A_216 = arith.constant 1 : i32
        %swap3A_217 = arith.index_cast %swap3A_216 : i32 to index
        %swap3A_218 = arith.index_cast %scan3A_160 : i32 to index
        %swap3A_219 = arith.constant 48 : index
        %swap3A_220 = tpu.vector_load %arg6[%swap3A_217, %swap3A_218, %swap3A_219] {strides = array<i32>} : memref<2x200x64xf32, #tpu.memory_space<vmem>>, vector<1x1x16xf32>,
        %swap3A_221 = vector.shape_cast %swap3A_220 : vector<1x1x16xf32> to vector<16xf32>
        %swap3A_222 = vector.shape_cast %mul3A_215 : vector<16xf32> to vector<1x1x16xf32>
        tpu.vector_store %arg6[%swap3A_217, %swap3A_218, %swap3A_219], %swap3A_222 {strides = array<i32>} : memref<2x200x64xf32, #tpu.memory_space<vmem>>, vector<1x1x16xf32>,
        %scan3A_223 = arith.constant 1 : i32
        %scan3A_224 = arith.addi %scan3A_160, %scan3A_223 : i32
        %get3A_225 = arith.constant 1 : i32
        %get3A_226 = arith.index_cast %get3A_225 : i32 to index
        %get3A_227 = arith.index_cast %scan3A_224 : i32 to index
        %get3A_228 = arith.constant 0 : index
        %get3A_229 = tpu.vector_load %arg6[%get3A_226, %get3A_227, %get3A_228] {strides = array<i32>} : memref<2x200x64xf32, #tpu.memory_space<vmem>>, vector<1x1x16xf32>,
        %get3A_230 = vector.shape_cast %get3A_229 : vector<1x1x16xf32> to vector<16xf32>
        %mul3A_231 = arith.constant 8.000000e+00 : f32
        %mul3A_232 = vector.broadcast %mul3A_231 : f32 to vector<16xf32>
        %mul3A_233 = arith.mulf %get3A_230, %mul3A_232 : vector<16xf32>
        %swap3A_234 = arith.constant 1 : i32
        %swap3A_235 = arith.index_cast %swap3A_234 : i32 to index
        %swap3A_236 = arith.index_cast %scan3A_224 : i32 to index
        %swap3A_237 = arith.constant 0 : index
        %swap3A_238 = tpu.vector_load %arg6[%swap3A_235, %swap3A_236, %swap3A_237] {strides = array<i32>} : memref<2x200x64xf32, #tpu.memory_space<vmem>>, vector<1x1x16xf32>,
        %swap3A_239 = vector.shape_cast %swap3A_238 : vector<1x1x16xf32> to vector<16xf32>
        %swap3A_240 = vector.shape_cast %mul3A_233 : vector<16xf32> to vector<1x1x16xf32>
        tpu.vector_store %arg6[%swap3A_235, %swap3A_236, %swap3A_237], %swap3A_240 {strides = array<i32>} : memref<2x200x64xf32, #tpu.memory_space<vmem>>, vector<1x1x16xf32>,
        %get3A_241 = arith.constant 1 : i32
        %get3A_242 = arith.index_cast %get3A_241 : i32 to index
        %get3A_243 = arith.index_cast %scan3A_224 : i32 to index
        %get3A_244 = arith.constant 16 : index
        %get3A_245 = tpu.vector_load %arg6[%get3A_242, %get3A_243, %get3A_244] {strides = array<i32>} : memref<2x200x64xf32, #tpu.memory_space<vmem>>, vector<1x1x16xf32>,
        %get3A_246 = vector.shape_cast %get3A_245 : vector<1x1x16xf32> to vector<16xf32>
        %mul3A_247 = arith.constant 8.000000e+00 : f32
        %mul3A_248 = vector.broadcast %mul3A_247 : f32 to vector<16xf32>
        %mul3A_249 = arith.mulf %get3A_246, %mul3A_248 : vector<16xf32>
        %swap3A_250 = arith.constant 1 : i32
        %swap3A_251 = arith.index_cast %swap3A_250 : i32 to index
        %swap3A_252 = arith.index_cast %scan3A_224 : i32 to index
        %swap3A_253 = arith.constant 16 : index
        %swap3A_254 = tpu.vector_load %arg6[%swap3A_251, %swap3A_252, %swap3A_253] {strides = array<i32>} : memref<2x200x64xf32, #tpu.memory_space<vmem>>, vector<1x1x16xf32>,
        %swap3A_255 = vector.shape_cast %swap3A_254 : vector<1x1x16xf32> to vector<16xf32>
        %swap3A_256 = vector.shape_cast %mul3A_249 : vector<16xf32> to vector<1x1x16xf32>
        tpu.vector_store %arg6[%swap3A_251, %swap3A_252, %swap3A_253], %swap3A_256 {strides = array<i32>} : memref<2x200x64xf32, #tpu.memory_space<vmem>>, vector<1x1x16xf32>,
        %get3A_257 = arith.constant 1 : i32
        %get3A_258 = arith.index_cast %get3A_257 : i32 to index
        %get3A_259 = arith.index_cast %scan3A_224 : i32 to index
        %get3A_260 = arith.constant 32 : index
        %get3A_261 = tpu.vector_load %arg6[%get3A_258, %get3A_259, %get3A_260] {strides = array<i32>} : memref<2x200x64xf32, #tpu.memory_space<vmem>>, vector<1x1x16xf32>,
        %get3A_262 = vector.shape_cast %get3A_261 : vector<1x1x16xf32> to vector<16xf32>
        %mul3A_263 = arith.constant 8.000000e+00 : f32
        %mul3A_264 = vector.broadcast %mul3A_263 : f32 to vector<16xf32>
        %mul3A_265 = arith.mulf %get3A_262, %mul3A_264 : vector<16xf32>
        %swap3A_266 = arith.constant 1 : i32
        %swap3A_267 = arith.index_cast %swap3A_266 : i32 to index
        %swap3A_268 = arith.index_cast %scan3A_224 : i32 to index
        %swap3A_269 = arith.constant 32 : index
        %swap3A_270 = tpu.vector_load %arg6[%swap3A_267, %swap3A_268, %swap3A_269] {strides = array<i32>} : memref<2x200x64xf32, #tpu.memory_space<vmem>>, vector<1x1x16xf32>,
        %swap3A_271 = vector.shape_cast %swap3A_270 : vector<1x1x16xf32> to vector<16xf32>
        %swap3A_272 = vector.shape_cast %mul3A_265 : vector<16xf32> to vector<1x1x16xf32>
        tpu.vector_store %arg6[%swap3A_267, %swap3A_268, %swap3A_269], %swap3A_272 {strides = array<i32>} : memref<2x200x64xf32, #tpu.memory_space<vmem>>, vector<1x1x16xf32>,
        %get3A_273 = arith.constant 1 : i32
        %get3A_274 = arith.index_cast %get3A_273 : i32 to index
        %get3A_275 = arith.index_cast %scan3A_224 : i32 to index
        %get3A_276 = arith.constant 48 : index
        %get3A_277 = tpu.vector_load %arg6[%get3A_274, %get3A_275, %get3A_276] {strides = array<i32>} : memref<2x200x64xf32, #tpu.memory_space<vmem>>, vector<1x1x16xf32>,
        %get3A_278 = vector.shape_cast %get3A_277 : vector<1x1x16xf32> to vector<16xf32>
        %mul3A_279 = arith.constant 8.000000e+00 : f32
        %mul3A_280 = vector.broadcast %mul3A_279 : f32 to vector<16xf32>
        %mul3A_281 = arith.mulf %get3A_278, %mul3A_280 : vector<16xf32>
        %swap3A_282 = arith.constant 1 : i32
        %swap3A_283 = arith.index_cast %swap3A_282 : i32 to index
        %swap3A_284 = arith.index_cast %scan3A_224 : i32 to index
        %swap3A_285 = arith.constant 48 : index
        %swap3A_286 = tpu.vector_load %arg6[%swap3A_283, %swap3A_284, %swap3A_285] {strides = array<i32>} : memref<2x200x64xf32, #tpu.memory_space<vmem>>, vector<1x1x16xf32>,
        %swap3A_287 = vector.shape_cast %swap3A_286 : vector<1x1x16xf32> to vector<16xf32>
        %swap3A_288 = vector.shape_cast %mul3A_281 : vector<16xf32> to vector<1x1x16xf32>
        tpu.vector_store %arg6[%swap3A_283, %swap3A_284, %swap3A_285], %swap3A_288 {strides = array<i32>} : memref<2x200x64xf32, #tpu.memory_space<vmem>>, vector<1x1x16xf32>,
        %scan3A_289 = arith.constant 2 : i32
        %scan3A_290 = arith.addi %scan3A_160, %scan3A_289 : i32
        %get3A_291 = arith.constant 1 : i32
        %get3A_292 = arith.index_cast %get3A_291 : i32 to index
        %get3A_293 = arith.index_cast %scan3A_290 : i32 to index
        %get3A_294 = arith.constant 0 : index
        %get3A_295 = tpu.vector_load %arg6[%get3A_292, %get3A_293, %get3A_294] {strides = array<i32>} : memref<2x200x64xf32, #tpu.memory_space<vmem>>, vector<1x1x16xf32>,
        %get3A_296 = vector.shape_cast %get3A_295 : vector<1x1x16xf32> to vector<16xf32>
        %mul3A_297 = arith.constant 8.000000e+00 : f32
        %mul3A_298 = vector.broadcast %mul3A_297 : f32 to vector<16xf32>
        %mul3A_299 = arith.mulf %get3A_296, %mul3A_298 : vector<16xf32>
        %swap3A_300 = arith.constant 1 : i32
        %swap3A_301 = arith.index_cast %swap3A_300 : i32 to index
        %swap3A_302 = arith.index_cast %scan3A_290 : i32 to index
        %swap3A_303 = arith.constant 0 : index
        %swap3A_304 = tpu.vector_load %arg6[%swap3A_301, %swap3A_302, %swap3A_303] {strides = array<i32>} : memref<2x200x64xf32, #tpu.memory_space<vmem>>, vector<1x1x16xf32>,
        %swap3A_305 = vector.shape_cast %swap3A_304 : vector<1x1x16xf32> to vector<16xf32>
        %swap3A_306 = vector.shape_cast %mul3A_299 : vector<16xf32> to vector<1x1x16xf32>
        tpu.vector_store %arg6[%swap3A_301, %swap3A_302, %swap3A_303], %swap3A_306 {strides = array<i32>} : memref<2x200x64xf32, #tpu.memory_space<vmem>>, vector<1x1x16xf32>,
        %get3A_307 = arith.constant 1 : i32
        %get3A_308 = arith.index_cast %get3A_307 : i32 to index
        %get3A_309 = arith.index_cast %scan3A_290 : i32 to index
        %get3A_310 = arith.constant 16 : index
        %get3A_311 = tpu.vector_load %arg6[%get3A_308, %get3A_309, %get3A_310] {strides = array<i32>} : memref<2x200x64xf32, #tpu.memory_space<vmem>>, vector<1x1x16xf32>,
        %get3A_312 = vector.shape_cast %get3A_311 : vector<1x1x16xf32> to vector<16xf32>
        %mul3A_313 = arith.constant 8.000000e+00 : f32
        %mul3A_314 = vector.broadcast %mul3A_313 : f32 to vector<16xf32>
        %mul3A_315 = arith.mulf %get3A_312, %mul3A_314 : vector<16xf32>
        %swap3A_316 = arith.constant 1 : i32
        %swap3A_317 = arith.index_cast %swap3A_316 : i32 to index
        %swap3A_318 = arith.index_cast %scan3A_290 : i32 to index
        %swap3A_319 = arith.constant 16 : index
        %swap3A_320 = tpu.vector_load %arg6[%swap3A_317, %swap3A_318, %swap3A_319] {strides = array<i32>} : memref<2x200x64xf32, #tpu.memory_space<vmem>>, vector<1x1x16xf32>,
        %swap3A_321 = vector.shape_cast %swap3A_320 : vector<1x1x16xf32> to vector<16xf32>
        %swap3A_322 = vector.shape_cast %mul3A_315 : vector<16xf32> to vector<1x1x16xf32>
        tpu.vector_store %arg6[%swap3A_317, %swap3A_318, %swap3A_319], %swap3A_322 {strides = array<i32>} : memref<2x200x64xf32, #tpu.memory_space<vmem>>, vector<1x1x16xf32>,
        %get3A_323 = arith.constant 1 : i32
        %get3A_324 = arith.index_cast %get3A_323 : i32 to index
        %get3A_325 = arith.index_cast %scan3A_290 : i32 to index
        %get3A_326 = arith.constant 32 : index
        %get3A_327 = tpu.vector_load %arg6[%get3A_324, %get3A_325, %get3A_326] {strides = array<i32>} : memref<2x200x64xf32, #tpu.memory_space<vmem>>, vector<1x1x16xf32>,
        %get3A_328 = vector.shape_cast %get3A_327 : vector<1x1x16xf32> to vector<16xf32>
        %mul3A_329 = arith.constant 8.000000e+00 : f32
        %mul3A_330 = vector.broadcast %mul3A_329 : f32 to vector<16xf32>
        %mul3A_331 = arith.mulf %get3A_328, %mul3A_330 : vector<16xf32>
        %swap3A_332 = arith.constant 1 : i32
        %swap3A_333 = arith.index_cast %swap3A_332 : i32 to index
        %swap3A_334 = arith.index_cast %scan3A_290 : i32 to index
        %swap3A_335 = arith.constant 32 : index
        %swap3A_336 = tpu.vector_load %arg6[%swap3A_333, %swap3A_334, %swap3A_335] {strides = array<i32>} : memref<2x200x64xf32, #tpu.memory_space<vmem>>, vector<1x1x16xf32>,
        %swap3A_337 = vector.shape_cast %swap3A_336 : vector<1x1x16xf32> to vector<16xf32>
        %swap3A_338 = vector.shape_cast %mul3A_331 : vector<16xf32> to vector<1x1x16xf32>
        tpu.vector_store %arg6[%swap3A_333, %swap3A_334, %swap3A_335], %swap3A_338 {strides = array<i32>} : memref<2x200x64xf32, #tpu.memory_space<vmem>>, vector<1x1x16xf32>,
        %get3A_339 = arith.constant 1 : i32
        %get3A_340 = arith.index_cast %get3A_339 : i32 to index
        %get3A_341 = arith.index_cast %scan3A_290 : i32 to index
        %get3A_342 = arith.constant 48 : index
        %get3A_343 = tpu.vector_load %arg6[%get3A_340, %get3A_341, %get3A_342] {strides = array<i32>} : memref<2x200x64xf32, #tpu.memory_space<vmem>>, vector<1x1x16xf32>,
        %get3A_344 = vector.shape_cast %get3A_343 : vector<1x1x16xf32> to vector<16xf32>
        %mul3A_345 = arith.constant 8.000000e+00 : f32
        %mul3A_346 = vector.broadcast %mul3A_345 : f32 to vector<16xf32>
        %mul3A_347 = arith.mulf %get3A_344, %mul3A_346 : vector<16xf32>
        %swap3A_348 = arith.constant 1 : i32
        %swap3A_349 = arith.index_cast %swap3A_348 : i32 to index
        %swap3A_350 = arith.index_cast %scan3A_290 : i32 to index
        %swap3A_351 = arith.constant 48 : index
        %swap3A_352 = tpu.vector_load %arg6[%swap3A_349, %swap3A_350, %swap3A_351] {strides = array<i32>} : memref<2x200x64xf32, #tpu.memory_space<vmem>>, vector<1x1x16xf32>,
        %swap3A_353 = vector.shape_cast %swap3A_352 : vector<1x1x16xf32> to vector<16xf32>
        %swap3A_354 = vector.shape_cast %mul3A_347 : vector<16xf32> to vector<1x1x16xf32>
        tpu.vector_store %arg6[%swap3A_349, %swap3A_350, %swap3A_351], %swap3A_354 {strides = array<i32>} : memref<2x200x64xf32, #tpu.memory_space<vmem>>, vector<1x1x16xf32>,
        %scan3A_355 = arith.constant 3 : i32
        %scan3A_356 = arith.addi %scan3A_160, %scan3A_355 : i32
        %get3A_357 = arith.constant 1 : i32
        %get3A_358 = arith.index_cast %get3A_357 : i32 to index
        %get3A_359 = arith.index_cast %scan3A_356 : i32 to index
        %get3A_360 = arith.constant 0 : index
        %get3A_361 = tpu.vector_load %arg6[%get3A_358, %get3A_359, %get3A_360] {strides = array<i32>} : memref<2x200x64xf32, #tpu.memory_space<vmem>>, vector<1x1x16xf32>,
        %get3A_362 = vector.shape_cast %get3A_361 : vector<1x1x16xf32> to vector<16xf32>
        %mul3A_363 = arith.constant 8.000000e+00 : f32
        %mul3A_364 = vector.broadcast %mul3A_363 : f32 to vector<16xf32>
        %mul3A_365 = arith.mulf %get3A_362, %mul3A_364 : vector<16xf32>
        %swap3A_366 = arith.constant 1 : i32
        %swap3A_367 = arith.index_cast %swap3A_366 : i32 to index
        %swap3A_368 = arith.index_cast %scan3A_356 : i32 to index
        %swap3A_369 = arith.constant 0 : index
        %swap3A_370 = tpu.vector_load %arg6[%swap3A_367, %swap3A_368, %swap3A_369] {strides = array<i32>} : memref<2x200x64xf32, #tpu.memory_space<vmem>>, vector<1x1x16xf32>,
        %swap3A_371 = vector.shape_cast %swap3A_370 : vector<1x1x16xf32> to vector<16xf32>
        %swap3A_372 = vector.shape_cast %mul3A_365 : vector<16xf32> to vector<1x1x16xf32>
        tpu.vector_store %arg6[%swap3A_367, %swap3A_368, %swap3A_369], %swap3A_372 {strides = array<i32>} : memref<2x200x64xf32, #tpu.memory_space<vmem>>, vector<1x1x16xf32>,
        %get3A_373 = arith.constant 1 : i32
        %get3A_374 = arith.index_cast %get3A_373 : i32 to index
        %get3A_375 = arith.index_cast %scan3A_356 : i32 to index
        %get3A_376 = arith.constant 16 : index
        %get3A_377 = tpu.vector_load %arg6[%get3A_374, %get3A_375, %get3A_376] {strides = array<i32>} : memref<2x200x64xf32, #tpu.memory_space<vmem>>, vector<1x1x16xf32>,
        %get3A_378 = vector.shape_cast %get3A_377 : vector<1x1x16xf32> to vector<16xf32>
        %mul3A_379 = arith.constant 8.000000e+00 : f32
        %mul3A_380 = vector.broadcast %mul3A_379 : f32 to vector<16xf32>
        %mul3A_381 = arith.mulf %get3A_378, %mul3A_380 : vector<16xf32>
        %swap3A_382 = arith.constant 1 : i32
        %swap3A_383 = arith.index_cast %swap3A_382 : i32 to index
        %swap3A_384 = arith.index_cast %scan3A_356 : i32 to index
        %swap3A_385 = arith.constant 16 : index
        %swap3A_386 = tpu.vector_load %arg6[%swap3A_383, %swap3A_384, %swap3A_385] {strides = array<i32>} : memref<2x200x64xf32, #tpu.memory_space<vmem>>, vector<1x1x16xf32>,
        %swap3A_387 = vector.shape_cast %swap3A_386 : vector<1x1x16xf32> to vector<16xf32>
        %swap3A_388 = vector.shape_cast %mul3A_381 : vector<16xf32> to vector<1x1x16xf32>
        tpu.vector_store %arg6[%swap3A_383, %swap3A_384, %swap3A_385], %swap3A_388 {strides = array<i32>} : memref<2x200x64xf32, #tpu.memory_space<vmem>>, vector<1x1x16xf32>,
        %get3A_389 = arith.constant 1 : i32
        %get3A_390 = arith.index_cast %get3A_389 : i32 to index
        %get3A_391 = arith.index_cast %scan3A_356 : i32 to index
        %get3A_392 = arith.constant 32 : index
        %get3A_393 = tpu.vector_load %arg6[%get3A_390, %get3A_391, %get3A_392] {strides = array<i32>} : memref<2x200x64xf32, #tpu.memory_space<vmem>>, vector<1x1x16xf32>,
        %get3A_394 = vector.shape_cast %get3A_393 : vector<1x1x16xf32> to vector<16xf32>
        %mul3A_395 = arith.constant 8.000000e+00 : f32
        %mul3A_396 = vector.broadcast %mul3A_395 : f32 to vector<16xf32>
        %mul3A_397 = arith.mulf %get3A_394, %mul3A_396 : vector<16xf32>
        %swap3A_398 = arith.constant 1 : i32
        %swap3A_399 = arith.index_cast %swap3A_398 : i32 to index
        %swap3A_400 = arith.index_cast %scan3A_356 : i32 to index
        %swap3A_401 = arith.constant 32 : index
        %swap3A_402 = tpu.vector_load %arg6[%swap3A_399, %swap3A_400, %swap3A_401] {strides = array<i32>} : memref<2x200x64xf32, #tpu.memory_space<vmem>>, vector<1x1x16xf32>,
        %swap3A_403 = vector.shape_cast %swap3A_402 : vector<1x1x16xf32> to vector<16xf32>
        %swap3A_404 = vector.shape_cast %mul3A_397 : vector<16xf32> to vector<1x1x16xf32>
        tpu.vector_store %arg6[%swap3A_399, %swap3A_400, %swap3A_401], %swap3A_404 {strides = array<i32>} : memref<2x200x64xf32, #tpu.memory_space<vmem>>, vector<1x1x16xf32>,
        %get3A_405 = arith.constant 1 : i32
        %get3A_406 = arith.index_cast %get3A_405 : i32 to index
        %get3A_407 = arith.index_cast %scan3A_356 : i32 to index
        %get3A_408 = arith.constant 48 : index
        %get3A_409 = tpu.vector_load %arg6[%get3A_406, %get3A_407, %get3A_408] {strides = array<i32>} : memref<2x200x64xf32, #tpu.memory_space<vmem>>, vector<1x1x16xf32>,
        %get3A_410 = vector.shape_cast %get3A_409 : vector<1x1x16xf32> to vector<16xf32>
        %mul3A_411 = arith.constant 8.000000e+00 : f32
        %mul3A_412 = vector.broadcast %mul3A_411 : f32 to vector<16xf32>
        %mul3A_413 = arith.mulf %get3A_410, %mul3A_412 : vector<16xf32>
        %swap3A_414 = arith.constant 1 : i32
        %swap3A_415 = arith.index_cast %swap3A_414 : i32 to index
        %swap3A_416 = arith.index_cast %scan3A_356 : i32 to index
        %swap3A_417 = arith.constant 48 : index
        %swap3A_418 = tpu.vector_load %arg6[%swap3A_415, %swap3A_416, %swap3A_417] {strides = array<i32>} : memref<2x200x64xf32, #tpu.memory_space<vmem>>, vector<1x1x16xf32>,
        %swap3A_419 = vector.shape_cast %swap3A_418 : vector<1x1x16xf32> to vector<16xf32>
        %swap3A_420 = vector.shape_cast %mul3A_413 : vector<16xf32> to vector<1x1x16xf32>
        tpu.vector_store %arg6[%swap3A_415, %swap3A_416, %swap3A_417], %swap3A_420 {strides = array<i32>} : memref<2x200x64xf32, #tpu.memory_space<vmem>>, vector<1x1x16xf32>,
      }
      %scan3A_141 = arith.constant 200 : i32
      %add3A_142 = arith.addi %mul3A_2, %add3A_115 : i32
      %dma_start3A_143 = arith.constant 1 : i32
      %dma_start3A_144 = arith.constant 0 : i32
      %dma_start3A_145 = arith.constant 0 : i32
      %dma_start3A_146 = tpu.memref_slice %arg6[%dma_start3A_143, %dma_start3A_144, %dma_start3A_145] : memref<2x200x64xf32, #tpu.memory_space<vmem>> -> memref<1x200x64xf32, #tpu.memory_space<vmem>>
      %dma_start3A_147 = tpu.memref_squeeze %dma_start3A_146 : memref<1x200x64xf32, #tpu.memory_space<vmem>> -> memref<200x64xf32, #tpu.memory_space<vmem>>
      %dma_start3A_148 = arith.constant 0 : i32
      %dma_start3A_149 = arith.constant 0 : i32
      %dma_start3A_150 = tpu.memref_slice %arg4[%add3A_142, %dma_start3A_148, %dma_start3A_149] : memref<4096x200x64xf32, #tpu.memory_space<hbm>> -> memref<1x200x64xf32, #tpu.memory_space<hbm>>
      %dma_start3A_151 = tpu.memref_squeeze %dma_start3A_150 : memref<1x200x64xf32, #tpu.memory_space<hbm>> -> memref<200x64xf32, #tpu.memory_space<hbm>>
      %dma_start3A_152 = arith.constant 0 : i32
      %dma_start3A_153 = arith.constant 0 : i32
      %dma_start3A_154 = tpu.memref_slice %arg4[%add3A_142, %dma_start3A_152, %dma_start3A_153] : memref<4096x200x64xf32, #tpu.memory_space<hbm>> -> memref<1x200x64xf32, #tpu.memory_space<hbm>>
      %dma_start3A_155 = tpu.memref_squeeze %dma_start3A_154 : memref<1x200x64xf32, #tpu.memory_space<hbm>> -> memref<200x64xf32, #tpu.memory_space<hbm>>
      %dma_start3A_156 = arith.constant 0 : i32
      %dma_start3A_157 = arith.constant 0 : i32
      %dma_start3A_158 = tpu.memref_slice %arg6[%dma_start3A_143, %dma_start3A_156, %dma_start3A_157] : memref<2x200x64xf32, #tpu.memory_space<vmem>> -> memref<1x200x64xf32, #tpu.memory_space<vmem>>
      %dma_start3A_159 = tpu.memref_squeeze %dma_start3A_158 : memref<1x200x64xf32, #tpu.memory_space<vmem>> -> memref<200x64xf32, #tpu.memory_space<vmem>>
      tpu.enqueue_dma source(%dma_start3A_159 : memref<200x64xf32, #tpu.memory_space<vmem>>) target(%dma_start3A_155 : memref<200x64xf32, #tpu.memory_space<hbm>>) target_semaphore(%arg10 : memref<!tpu.dma_semaphore, #tpu.memory_space<semaphore_mem>>)
    }
    %scan3A_36 = arith.constant 64 : i32
    %dma_wait3A = arith.constant 0 : i32
    %dma_wait3A_37 = arith.constant 0 : i32
    %dma_wait3A_38 = arith.constant 0 : i32
    %dma_wait3A_39 = tpu.memref_slice %arg6[%dma_wait3A, %dma_wait3A_37, %dma_wait3A_38] : memref<2x200x64xf32, #tpu.memory_space<vmem>> -> memref<1x200x64xf32, #tpu.memory_space<vmem>>
    %dma_wait3A_40 = tpu.memref_squeeze %dma_wait3A_39 : memref<1x200x64xf32, #tpu.memory_space<vmem>> -> memref<200x64xf32, #tpu.memory_space<vmem>>
    %dma_wait3A_41 = arith.constant 0 : i32
    %dma_wait3A_42 = arith.constant 0 : i32
    %dma_wait3A_43 = tpu.memref_slice %arg3[%dma_wait3A_41, %dma_wait3A_42] : memref<1000000x64xf32, #tpu.memory_space<hbm>> -> memref<200x64xf32, #tpu.memory_space<hbm>>
    %dma_wait3A_44 = arith.constant 0 : i32
    %dma_wait3A_45 = arith.constant 0 : i32
    %dma_wait3A_46 = tpu.memref_slice %arg6[%dma_wait3A, %dma_wait3A_44, %dma_wait3A_45] : memref<2x200x64xf32, #tpu.memory_space<vmem>> -> memref<1x200x64xf32, #tpu.memory_space<vmem>>
    %dma_wait3A_47 = tpu.memref_squeeze %dma_wait3A_46 : memref<1x200x64xf32, #tpu.memory_space<vmem>> -> memref<200x64xf32, #tpu.memory_space<vmem>>
    %dma_wait3A_48 = arith.constant 0 : i32
    %dma_wait3A_49 = arith.constant 0 : i32
    %dma_wait3A_50 = tpu.memref_slice %arg3[%dma_wait3A_48, %dma_wait3A_49] : memref<1000000x64xf32, #tpu.memory_space<hbm>> -> memref<200x64xf32, #tpu.memory_space<hbm>>
    tpu.wait_dma2 semaphore(%arg9 : memref<!tpu.dma_semaphore, #tpu.memory_space<semaphore_mem>>) src(%dma_wait3A_50 : memref<200x64xf32, #tpu.memory_space<hbm>>) dst(%dma_wait3A_47 : memref<200x64xf32, #tpu.memory_space<vmem>>)
    %dma_wait3A_51 = arith.constant 0 : i32
    %dma_wait3A_52 = arith.constant 0 : i32
    %dma_wait3A_53 = arith.constant 0 : i32
    %dma_wait3A_54 = tpu.memref_slice %arg6[%dma_wait3A_51, %dma_wait3A_52, %dma_wait3A_53] : memref<2x200x64xf32, #tpu.memory_space<vmem>> -> memref<1x200x64xf32, #tpu.memory_space<vmem>>
    %dma_wait3A_55 = tpu.memref_squeeze %dma_wait3A_54 : memref<1x200x64xf32, #tpu.memory_space<vmem>> -> memref<200x64xf32, #tpu.memory_space<vmem>>
    %dma_wait3A_56 = arith.constant 0 : i32
    %dma_wait3A_57 = arith.constant 0 : i32
    %dma_wait3A_58 = tpu.memref_slice %arg3[%dma_wait3A_56, %dma_wait3A_57] : memref<1000000x64xf32, #tpu.memory_space<hbm>> -> memref<200x64xf32, #tpu.memory_space<hbm>>
    %dma_wait3A_59 = arith.constant 0 : i32
    %dma_wait3A_60 = arith.constant 0 : i32
    %dma_wait3A_61 = tpu.memref_slice %arg6[%dma_wait3A_51, %dma_wait3A_59, %dma_wait3A_60] : memref<2x200x64xf32, #tpu.memory_space<vmem>> -> memref<1x200x64xf32, #tpu.memory_space<vmem>>
    %dma_wait3A_62 = tpu.memref_squeeze %dma_wait3A_61 : memref<1x200x64xf32, #tpu.memory_space<vmem>> -> memref<200x64xf32, #tpu.memory_space<vmem>>
    %dma_wait3A_63 = arith.constant 0 : i32
    %dma_wait3A_64 = arith.constant 0 : i32
    %dma_wait3A_65 = tpu.memref_slice %arg3[%dma_wait3A_63, %dma_wait3A_64] : memref<1000000x64xf32, #tpu.memory_space<hbm>> -> memref<200x64xf32, #tpu.memory_space<hbm>>
    tpu.wait_dma2 semaphore(%arg10 : memref<!tpu.dma_semaphore, #tpu.memory_space<semaphore_mem>>) src(%dma_wait3A_65 : memref<200x64xf32, #tpu.memory_space<hbm>>) dst(%dma_wait3A_62 : memref<200x64xf32, #tpu.memory_space<vmem>>)
    return
  }
}

</mosaic_0001>

<sc_bundles>
// kernel: kernel.3.cloned.1.call-start
scs
__scs_entry_jumppad:
0x0: {  	(pc) =	sbr.rel $0x88, $3  }
0x1: {  	(tag) =	ssettag $0x0;
	lr =	simm.s32 $0x1  }
0x2: {  	[smem:$0x3F9F] =	sst lr;
	_ =	strace $0xD0000000  }
0x3: {  	_ = 	snop  }
0x4: {  	_ = 	snop  }
0x5: {  	_ = 	snop  }
0x6: {  	_ = 	snop  }
0x7: {  	_ = 	snop  }
__scs_overlays_trampoline_lowered:
0x8: {  	[smem:$0x3FAE] =	sst s0  }
0x9: {  	[smem:$0x3FAF] =	sst s1  }
0xa: {  	[smem:$0x3FB0] =	sst s2  }
0xb: {  	[smem:$0x3FB1] =	sst s3  }
0xc: {  	[smem:$0x3FB2] =	sst s4  }
0xd: {  	[smem:$0x3FB3] =	sst s5  }
0xe: {  	[smem:$0x3FB4] =	sst s6  }
0xf: {  	[smem:$0x3FB5] =	sst s7  }
0x10: {  	[smem:$0x3FB6] =	sst s8  }
0x11: {  	[smem:$0x3FB7] =	sst s9;
	s0 =	simm.s32 @!p0 $0x0  }
0x12: {  	s1 =	sld [smem:$0x3F9D];
	s0 =	simm.s32 @p0 $0x1  }
0x13: {  	[smem:$0x3FB8] =	sst s0;
	s0 =	simm.s32 @!p1 $0x0  }
0x14: {  	s2 =	sld [smem:$0x3F9C];
	s0 =	simm.s32 @p1 $0x1  }
0x15: {  	[smem:$0x3FB9] =	sst s0;
	s0 =	simm.s32 @!p2 $0x0  }
0x16: {  	s3 =	sld [smem:$0x3FDB];
	s0 =	simm.s32 @p2 $0x1  }
0x17: {  	s4 =	simm.s32 $0x1BF5;
	[smem:$0x3FBB] =	sst s0  }
0x18: {  	s0 =	sld [smem:$0x3F9E];
	_ =	swait.ge [sflag:s4], $0x0  }
0x19: {  	s7 =	sld [smem:$0x3F9F]  }
0x1a: {  	s8 =	sadd.s32 $0xFFFFE003, lr  }
0x1b: {  	s9 =	sadd.s32 $0xFFFFFEF7, lr;
	s5 =	simm.s32 $0xFFFFFFFF;
	p2 =	slt.u32 s8, $0xFFFFF086  }
0x1c: {  	p1 =	slt.u32 s9, $0xF7A;
	s5 =	simm.s32 @!p2 $0x0  }
0x1d: {  	s5 =	simm.s32 @p1 $0x1;
	p0 =	seq.s32 s7, s2  }
0x1e: {  	s7 =	smul.u32 @!p0 $0xF7A, s2;
	p2 =	seq.s32 @!p0 s5, $0x0  }
0x1f: {  	s9 =	smul.u32 $0xF7A, s1;
	s8 =	simm.s32 @!p0 $0x1BF5;
	p2 =	por !p2, p0  }
0x20: {  	[sflag:s8] =	ssyncset.s32 @!p0 $0xFFFFF086;
	s6 =	sadd.s32 @!p0 s3, s7;
	s7 =	simm.s32 @!p0 $0x108  }
0x21: {  	s3 =	sadd.s32 s3, s9;
	s6 =	sadd.s32 @!p0 $0x88, s6;
	s7 =	simm.s32 @p2 $0x1082  }
0x22: {  	[simem:s7], [sflag:s8] =	dma.local @!p0 [hbm:s6], $0xF7A  }
0x23: {  	s9 =	sor.u32 $0xD0000000, s2;
	s6 =	simm.s32 $0x108;
	_ =	swait.ge @!p0 [sflag:s8], $0x0  }
0x24: {  	s3 =	sadd.s32 $0x88, s3;
	s6 =	simm.s32 @!p1 $0x1082;
	[sflag:s4] =	ssyncset.s32 $0xFFFFF086  }
0x25: {  	[simem:s6], [sflag:s4] =	dma.local [hbm:s3], $0xF7A  }
0x26: {  	[smem:$0x3F9F] =	sst s1;
	(tag) =	ssettag s2;
	_ =	strace s9  }
0x27: {  	s1 =	sld [smem:$0x3FAF]  }
0x28: {  	s2 =	sld [smem:$0x3FB0]  }
0x29: {  	s4 =	sld [smem:$0x3FB2]  }
0x2a: {  	p0 =	seq.s32 s5, $0x0;
	s5 =	sld [smem:$0x3FB3]  }
0x2b: {  	s6 =	sld [smem:$0x3FB4]  }
0x2c: {  	s7 =	sld [smem:$0x3FB5]  }
0x2d: {  	s3 =	simm.s32 $0x108;
	s8 =	sld [smem:$0x3FB6]  }
0x2e: {  	s3 =	simm.s32 @!p0 $0x1082;
	s9 =	sld [smem:$0x3FB7]  }
0x2f: {  	lr =	sadd.s32 s0, s3;
	s0 =	sld [smem:$0x3FAE]  }
0x30: {  	s3 =	sld [smem:$0x3FB1]  }
0x31: {  	[smem:$0x3FBA] =	sst s10  }
0x32: {  	s10 =	sld [smem:$0x3FB8];
	_ =	sdelay $0x3  }
0x33: {  	p0 =	seq.s32 s10, $0x1;
	s10 =	sld [smem:$0x3FBA];
	_ =	sdelay $0x3  }
0x34: {  	[smem:$0x3FBA] =	sst s10  }
0x35: {  	s10 =	sld [smem:$0x3FB9];
	_ =	sdelay $0x3  }
0x36: {  	p1 =	seq.s32 s10, $0x1;
	s10 =	sld [smem:$0x3FBA];
	_ =	sdelay $0x3  }
0x37: {  	[smem:$0x3FBA] =	sst s10  }
0x38: {  	s10 =	sld [smem:$0x3FBB]  }
0x39: {  	_ = 	snop;
	(pc) =	sbr.ind lr, $3  }
0x3a: {  	_ = 	snop  }
0x3b: {  	_ = 	snop  }
0x3c: {  	p2 =	seq.s32 s10, $0x1;
	s10 =	sld [smem:$0x3FBA]  }
0x3d: {  	_ =	shalt  }
0x3e: {  	_ =	shalt  }
0x3f: {  	_ =	shalt  }
0x40: {  	_ =	shalt  }
0x41: {  	_ =	shalt  }
0x42: {  	_ =	shalt  }
0x43: {  	_ =	shalt  }
0x44: {  	_ =	shalt  }
0x45: {  	_ =	shalt  }
0x46: {  	_ =	shalt  }
0x47: {  	_ =	shalt  }
0x48: {  	_ =	shalt  }
0x49: {  	_ =	shalt  }
0x4a: {  	_ =	shalt  }
0x4b: {  	_ =	shalt  }
0x4c: {  	_ =	shalt  }
0x4d: {  	_ =	shalt  }
0x4e: {  	_ =	shalt  }
0x4f: {  	_ =	shalt  }
0x50: {  	_ =	shalt  }
0x51: {  	_ =	shalt  }
0x52: {  	_ =	shalt  }
0x53: {  	_ =	shalt  }
0x54: {  	_ =	shalt  }
0x55: {  	_ =	shalt  }
0x56: {  	_ =	shalt  }
0x57: {  	_ =	shalt  }
0x58: {  	_ =	shalt  }
0x59: {  	_ =	shalt  }
0x5a: {  	_ =	shalt  }
0x5b: {  	_ =	shalt  }
0x5c: {  	_ =	shalt  }
0x5d: {  	_ =	shalt  }
0x5e: {  	_ =	shalt  }
0x5f: {  	_ =	shalt  }
0x60: {  	_ =	shalt  }
0x61: {  	_ =	shalt  }
0x62: {  	_ =	shalt  }
0x63: {  	_ =	shalt  }
0x64: {  	_ =	shalt  }
0x65: {  	_ =	shalt  }
0x66: {  	_ =	shalt  }
0x67: {  	_ =	shalt  }
0x68: {  	_ =	shalt  }
0x69: {  	_ =	shalt  }
0x6a: {  	_ =	shalt  }
0x6b: {  	_ =	shalt  }
0x6c: {  	_ =	shalt  }
0x6d: {  	_ =	shalt  }
0x6e: {  	_ =	shalt  }
0x6f: {  	_ =	shalt  }
0x70: {  	_ =	shalt  }
0x71: {  	_ =	shalt  }
0x72: {  	_ =	shalt  }
0x73: {  	_ =	shalt  }
0x74: {  	_ =	shalt  }
0x75: {  	_ =	shalt  }
0x76: {  	_ =	shalt  }
0x77: {  	_ =	shalt  }
0x78: {  	_ =	shalt  }
0x79: {  	_ =	shalt  }
0x7a: {  	_ =	shalt  }
0x7b: {  	_ =	shalt  }
0x7c: {  	_ =	shalt  }
0x7d: {  	_ =	shalt  }
0x7e: {  	_ =	shalt  }
0x7f: {  	_ =	shalt  }
0x80: {  	_ =	shalt  }
0x81: {  	_ =	shalt  }
0x82: {  	_ =	shalt  }
0x83: {  	_ =	shalt  }
0x84: {  	_ =	shalt  }
0x85: {  	_ =	shalt  }
0x86: {  	_ =	shalt  }
0x87: {  	_ =	shalt  }
.Lfunc_end0:
.L_simem_size_0:
called_computation.1_lowered:
.L_overlay_start_0:
0x88: {  	s2 =	sld [smem:$0x3FD9]  }
0x89: {  	s3 =	sld [smem:$0x3FFE];
	_ =	sdelay $0x1  }
0x8a: {  	s1 =	srdreg.scid  }
0x8b: {  	s0 =	sand.u32 $0x1, s1  }
0x8c: {  	s17 =	sshll.u32 s0, $0xA;
	s2 =	sadd.s32 s3, s2  }
0x8d: {  	s2 =	sadd.s32 s2, s17  }
0x8e: {  	[smem:$0x3FC6] =	sst s2  }
0x8f: {  	_ = 	snop  }
0x90: {  	s2 =	sld [smem:$0x3FD0];
	(tm) =	ssettm $0x1  }
0x91: {  	s18 =	sld [smem:$0x3FFB];
	_ =	sdelay $0x3  }
0x92: {  	_ =	strace s18  }
0x93: {  	s3 =	sld [smem:$0x3FFC];
	_ =	sdelay $0x3  }
0x94: {  	_ =	strace s3  }
0x95: {  	s3 =	sld [smem:$0x3FFD];
	_ =	sdelay $0x3  }
0x96: {  	_ =	strace s3  }
0x97: {  	_ =	strace $0x8FFFFFFF  }
0x98: {  	s19 =	sld [smem:$0x3FDB];
	_ =	sdelay $0x1  }
0x99: {  	s4 =	simm.s32 $_scs_section_size  }
0x9a: {  	s5 =	simm.s32 $_size__tile_overlayer_lowered;
	s6 =	simm.s32 $_tile_overlayer_lowered  }
0x9b: {  	s22 =	simm.s32 $0x1BFF;
	s21 =	sshll.u32 s6, $0x1;
	s3 =	sadd.s32 s4, s19  }
0x9c: {  	s7 =	simm.s32 $0x0;
	s20 =	sshll.u32 s5, $0x1;
	s5 =	sadd.s32 s21, s3  }
0x9d: {  	[timem:s7], [sflag:s22] =	dma.local [hbm:s5], s20  }
0x9e: {  	_ =	swait.ge [sflag:s22], s20  }
0x9f: {  	s4 =	ssub.s32 $0x0, s20;
	[sflag:s22] =	ssyncset.done $0x0  }
0xa0: {  	[sflag:s22] =	ssyncadd.s32 s4;
	_ =	sdelay $0x1  }
0xa1: {  	s23 =	simm.s32 $0x1B8B  }
0xa2: {  	_ =	swait.ge [sflag:s23], $0x1  }
0xa3: {  	[sflag:s23] =	ssyncset.done $0x0  }
0xa4: {  	s25 =	simm.s32 $0x1B8E;
	s24 =	sld [smem:$0x3FFE];
	[sflag:s23] =	ssyncadd.s32 $0xFFFFFFFF  }
0xa5: {  	s26 =	simm.s32 $execute0_lowered;
	[smem:$0x3FD2] =	sst s25  }
0xa6: {  	s5 =	sshll.u32 s26, $0x1;
	_ =	strace $0x80000046;
	[dreg:$0x1] =	wrdreg $0xFFFFFFFF  }
0xa7: {  	s28 =	simm.s32 $_size_execute0_lowered;
	s3 =	sadd.s32 s3, s5;
	[dreg:$0x0] =	wrdreg $0x0  }
0xa8: {  	s5 =	sshll.u32 s28, $0x1;
	[dreg:$0x2] =	wrdreg s3  }
0xa9: {  	[dreg:$0x3] =	wrdreg s5  }
0xaa: {  	[dreg:$0x4] =	wrdreg $0xC0  }
0xab: {  	_ =	task [dreg:s7], $0x5FFFF  }
0xac: {  	[dreg:$0x1] =	wrdreg $0xFFFFFFFF  }
0xad: {  	[dreg:$0x0] =	wrdreg $0x60  }
0xae: {  	[dreg:$0x2] =	wrdreg s24  }
0xaf: {  	[dreg:$0x3] =	wrdreg s2  }
0xb0: {  	[dreg:$0x4] =	wrdreg $0x9  }
0xb1: {  	_ =	task.clear_ibuf [dreg:s7], $0x5FFFF;
	_ =	strace $0x90000046  }
0xb2: {  	s29 =	simm.s32 $0x9;
	_ =	strace $0x80000048  }
0xb3: {  	_ =	swait.ge [sflag:s29], $0x1  }
0xb4: {  	[sflag:s29] =	ssyncadd.s32 $0xFFFFFFFF  }
0xb5: {  	_ =	strace $0x90000048  }
0xb6: {  	_ =	sfence  }
0xb7: {  	s30 =	sld [smem:$0x0];
	_ =	sdelay $0x2  }
0xb8: {  	s31 =	sshll.u32 s1, $0xD;
	s1 =	sshrl.u32 s1, $0x2  }
0xb9: {  	s3 =	sand.u32 $0x4000, s31;
	s1 =	sadd.s32 s1, s30  }
0xba: {  	s0 =	sor.u32 s3, s0;
	s1 =	sshll.u32 s1, $0x11  }
0xbb: {  	s0 =	sor.u32 s1, s0  }
0xbc: {  	s0 =	sadd.s32 $0x8F2B, s0  }
0xbd: {  	[sflag:s0] =	ssyncadd.remote.s32 $0x1  }
0xbe: {  	_ =	sfence.sel $0xFFFF  }
0xbf: {  	[dreg:$0x0] =	wrdreg $0xFFFFFFFF;
	(pc) =	sbr.abs _section_cstart, $3  }
0xc0: {  	[dreg:$0x1] =	wrdreg $0xFFFFFFFF  }
0xc1: {  	_ =	task.clear_ibuf [dreg:s7], $0x2FFFF;
	_ =	strace $0x9FFFFFFF  }
0xc2: {  	(tm) =	ssettm $0x7FFFFFFF  }
0xc3: {  	_ =	shalt  }
tec
execute0_lowered:
.L_overlay_start_1:
0x0: {  	(tag) =	ssettag $0x1  }
0x1: {  	s1 =	srdreg.scid;
	s5 =	rddreg [dreg:$0x0]  }
0x2: {  	s0 =	stileid.u32;
	s2 =	rddreg [dreg:$0x1];
	s9 =	simm.s32 $0x80  }
0x3: {  	s10 =	simm.s32 $0x6400;
	s11 =	simm.s32 $0x48;
	s12 =	simm.s32 $0x8400  }
0x4: {  	s13 =	simm.s32 $0x9600;
	s14 =	simm.s32 $0xB600;
	s15 =	simm.s32 $0x1  }
0x5: {  	s16 =	simm.s32 $0x2;
	s17 =	simm.s32 $0x3;
	s6 =	sand.u32 $0x1, s1  }
0x6: {  	s18 =	simm.s32 $0x4;
	s3 =	sshll.u32 s0, $0x8;
	s4 =	sshll.u32 s6, $0x7  }
0x7: {  	s1 =	rddreg [dreg:$0x2];
	s6 =	ssub.s32 $0x2, s6;
	s3 =	sor.u32 s4, s3  }
0x8: {  	s4 =	simm.s32 $0x0;
	s8 =	sshrl.u32 s6, $0x1;
	s7 =	smul.u32 $0x19, s3  }
0x9: {  	s19 =	simm.s32 $0x0;
	[smem:$0x7FF] =	sst s4;
	s8 =	ssub.s32 s6, s8  }
0xa: {  	_ =	strace $0x80000047;
	s7 =	sadd.s32 s7, s5;
	s5 =	sadd.s32 $0xF42E00, s5  }
0xb: {  	s6 =	sadd.s32 $0xA00, s7;
	s7 =	smax.u32 s8, $0x1;
	s8 =	simm.s32 $0x5  }
.LBB2_1:
0xc: {  	[tilespmem:s4], [sflag:$0x5] =	stream.linear.gather [hbm4b:s6+s4], $0x6400, $0x38;
	[tilespmem:$0xC800] =	vst v63  }
0xd: {  	_ =	swait.ge [sflag:s8], $0x6400  }
0xe: {  	[sflag:s8] =	ssyncset.done $0x0  }
0xf: {  	[sflag:s8] =	ssyncadd.s32 $0xFFFF9C00  }
0x10: {  	[tilespmem:s10], [sflag:$0x1] =	stream.indirect.gather [hbm4b:s5+s9], $0x40, s4, s9, $0xb8;
	[tilespmem:$0xC800] =	vst v63  }
0x11: {  	s20 =	simm.s32 $0x0  }
0x12: {  	[tilespmem:s12], [sflag:$0x1] =	stream.indirect.gather [hbm4b:s5+s11], $0x40, s9, s11, $0xb8;
	[tilespmem:$0xC800] =	vst v63  }
.LBB2_2:
0x13: {  	p0 =	seq.s32 s20, $0x0  }
0x14: {  	s21 =	smul.u32 $0x640, s20;
	s22 =	simm.s32 @!p0 $0x4  }
0x15: {  	_ =	swait.ge @!p0 [sflag:s22], $0x3200  }
0x16: {  	s21 =	sshra.s32 s21, $0x2;
	[sflag:s22] =	ssyncset.done @!p0 $0x0  }
0x17: {  	s30 =	sadd.s32 $0xC8, s21;
	[sflag:s22] =	ssyncadd.s32 @!p0 $0xFFFFCE00  }
0x18: {  	[tilespmem:s13], [sflag:$0x2] =	stream.indirect.gather [hbm4b:s5+s9], $0x40, s30, s9, $0xb8;
	[tilespmem:$0xC800] =	vst v63  }
0x19: {  	s31 =	sadd.s32 $0x148, s21  }
0x1a: {  	[tilespmem:s14], [sflag:$0x2] =	stream.indirect.gather [hbm4b:s5+s11], $0x40, s31, s11, $0xb8;
	[tilespmem:$0xC800] =	vst v63  }
0x1b: {  	_ =	swait.ge [sflag:s15], $0x3200  }
0x1c: {  	[sflag:s15] =	ssyncset.done $0x0  }
0x1d: {  	s22 =	simm.s32 $0x6480;
	[sflag:s15] =	ssyncadd.s32 $0xFFFFCE00  }
0x1e: {  	v0 =	vld [tilespmem:s22+$0xFFFFFF80]  }
0x1f: {  	v1 =	vld [tilespmem:s22+$0xFFFFFF90]  }
0x20: {  	v2 =	vld [tilespmem:s22+$0xFFFFFFA0]  }
0x21: {  	v3 =	vld [tilespmem:s22+$0xFFFFFFB0]  }
0x22: {  	v4 =	vld [tilespmem:s22+$0xFFFFFFC0]  }
0x23: {  	v5 =	vld [tilespmem:s22+$0xFFFFFFD0];
	v0 =	vmul.f32 $8.000000000e+00, v0  }
0x24: {  	v6 =	vld [tilespmem:s22+$0xFFFFFFE0];
	v1 =	vmul.f32 $8.000000000e+00, v1  }
0x25: {  	[tilespmem:s22+$0xFFFFFF80] =	vst v0;
	v0 =	vmul.f32 $8.000000000e+00, v2;
	v2 =	vld [tilespmem:s22+$0x0]  }
0x26: {  	[tilespmem:s22+$0xFFFFFF90] =	vst v1;
	v1 =	vmul.f32 $8.000000000e+00, v3;
	v3 =	vld [tilespmem:s22+$0x10]  }
0x27: {  	[tilespmem:s22+$0xFFFFFFA0] =	vst v0;
	v0 =	vmul.f32 $8.000000000e+00, v4;
	v4 =	vld [tilespmem:s22+$0x20]  }
0x28: {  	v7 =	vld [tilespmem:s22+$0x30];
	[tilespmem:s22+$0xFFFFFFB0] =	vst v1;
	v1 =	vmul.f32 $8.000000000e+00, v5  }
0x29: {  	v5 =	vmul.f32 $8.000000000e+00, v6;
	[tilespmem:s22+$0xFFFFFFC0] =	vst v0;
	v0 =	vld [tilespmem:s22+$0x40]  }
0x2a: {  	[tilespmem:s22+$0xFFFFFFD0] =	vst v1;
	v1 =	vmul.f32 $8.000000000e+00, v2;
	v2 =	vld [tilespmem:s22+$0x50]  }
0x2b: {  	[tilespmem:s22+$0xFFFFFFE0] =	vst v5;
	v6 =	vmul.f32 $8.000000000e+00, v3;
	v3 =	vld [tilespmem:s22+$0x60]  }
0x2c: {  	[tilespmem:s22+$0x0] =	vst v1;
	v5 =	vmul.f32 $8.000000000e+00, v4;
	v4 =	vld [tilespmem:s22+$0x70]  }
0x2d: {  	s23 =	sshll.u32 s20, $0x1;
	s24 =	simm.s32 $0x0;
	s25 =	simm.s32 $0x6580;
	v1 =	vld [tilespmem:s22+$0xFFFFFFF0];
	[tilespmem:s22+$0x10] =	vst v6;
	v6 =	vmul.f32 $8.000000000e+00, v7  }
.LBB2_3:
0x2e: {  	v7 =	vld [tilespmem:s25+$0xFFFFFF80];
	[tilespmem:s22+$0x20] =	vst v5;
	v0 =	vmul.f32 $8.000000000e+00, v0  }
0x2f: {  	v5 =	vld [tilespmem:s25+$0xFFFFFF90];
	[tilespmem:s22+$0x30] =	vst v6;
	v2 =	vmul.f32 $8.000000000e+00, v2  }
0x30: {  	v6 =	vld [tilespmem:s25+$0xFFFFFFA0];
	[tilespmem:s22+$0x40] =	vst v0;
	v0 =	vmul.f32 $8.000000000e+00, v3  }
0x31: {  	v3 =	vld [tilespmem:s25+$0xFFFFFFB0];
	[tilespmem:s22+$0x50] =	vst v2;
	v2 =	vmul.f32 $8.000000000e+00, v4  }
0x32: {  	v4 =	vld [tilespmem:s25+$0xFFFFFFC0];
	v1 =	vmul.f32 $8.000000000e+00, v1;
	[tilespmem:s22+$0x60] =	vst v0  }
0x33: {  	v0 =	vmul.f32 $8.000000000e+00, v7;
	v7 =	vld [tilespmem:s25+$0xFFFFFFD0];
	[tilespmem:s22+$0x70] =	vst v2  }
0x34: {  	v2 =	vmul.f32 $8.000000000e+00, v5;
	v5 =	vld [tilespmem:s25+$0xFFFFFFE0];
	[tilespmem:s22+$0xFFFFFFF0] =	vst v1;
	s22 =	smov.u32 s25  }
0x35: {  	[tilespmem:s25+$0xFFFFFF80] =	vst v0;
	v0 =	vmul.f32 $8.000000000e+00, v6;
	v1 =	vld [tilespmem:s25+$0x0]  }
0x36: {  	[tilespmem:s25+$0xFFFFFF90] =	vst v2;
	v2 =	vmul.f32 $8.000000000e+00, v3;
	v3 =	vld [tilespmem:s25+$0x10]  }
0x37: {  	s24 =	sadd.s32 $0x4, s24;
	[tilespmem:s25+$0xFFFFFFA0] =	vst v0;
	v0 =	vmul.f32 $8.000000000e+00, v4;
	v4 =	vld [tilespmem:s25+$0x20]  }
0x38: {  	p0 =	slt.u32 s24, $0xC4;
	[tilespmem:s25+$0xFFFFFFB0] =	vst v2;
	v2 =	vmul.f32 $8.000000000e+00, v7;
	v6 =	vld [tilespmem:s25+$0x30]  }
.Ltmp0:
0x39: {  	[tilespmem:s25+$0xFFFFFFC0] =	vst v0;
	v5 =	vmul.f32 $8.000000000e+00, v5;
	v0 =	vld [tilespmem:s25+$0x40];
	(pc) =	sbr.rel @p0 .LBB2_3-.Ltmp0, $4  }
0x3a: {  	[tilespmem:s25+$0xFFFFFFD0] =	vst v2;
	v1 =	vmul.f32 $8.000000000e+00, v1;
	v2 =	vld [tilespmem:s25+$0x50]  }
0x3b: {  	[tilespmem:s25+$0xFFFFFFE0] =	vst v5;
	v7 =	vmul.f32 $8.000000000e+00, v3;
	v3 =	vld [tilespmem:s25+$0x60]  }
0x3c: {  	[tilespmem:s25+$0x0] =	vst v1;
	v5 =	vmul.f32 $8.000000000e+00, v4;
	v4 =	vld [tilespmem:s25+$0x70]  }
0x3d: {  	s25 =	sadd.s32 $0x100, s25;
	v1 =	vld [tilespmem:s22+$0xFFFFFFF0];
	[tilespmem:s22+$0x10] =	vst v7;
	v6 =	vmul.f32 $8.000000000e+00, v6  }
0x3e: {  	[tilespmem:s22+$0x20] =	vst v5;
	v0 =	vmul.f32 $8.000000000e+00, v0  }
0x3f: {  	[tilespmem:s22+$0x30] =	vst v6;
	v2 =	vmul.f32 $8.000000000e+00, v2  }
0x40: {  	[tilespmem:s22+$0x40] =	vst v0;
	v0 =	vmul.f32 $8.000000000e+00, v3  }
0x41: {  	s24 =	sadd.s32 s3, s23;
	[tilespmem:s22+$0x50] =	vst v2;
	v2 =	vmul.f32 $8.000000000e+00, v4  }
0x42: {  	s24 =	smul.u32 $0x640, s24;
	v1 =	vmul.f32 $8.000000000e+00, v1;
	[tilespmem:s22+$0x60] =	vst v0  }
0x43: {  	[tilespmem:s22+$0x70] =	vst v2  }
0x44: {  	s31 =	sadd.s32 s2, s24;
	[tilespmem:s22+$0xFFFFFFF0] =	vst v1;
	s22 =	sor.u32 $0x1, s23  }
0x45: {  	[hbm4b:s31+s4] =	stream.linear.scatter [tilespmem:s10], [sflag:$0x3], $0x3200, $0x38;
	[tilespmem:$0xC800] =	vst v63  }
0x46: {  	p0 =	sgt.u32 s22, $0x7E  }
0x47: {  	s23 =	simm.s32 @!p0 $0x3  }
0x48: {  	_ =	swait.ge @!p0 [sflag:s23], $0x3200  }
0x49: {  	s24 =	simm.s32 @!p0 $0x80;
	[sflag:s23] =	ssyncset.done @!p0 $0x0  }
0x4a: {  	s25 =	simm.s32 @!p0 $0x6400;
	[sflag:s23] =	ssyncadd.s32 @!p0 $0xFFFFCE00;
	s23 =	sadd.s32 @!p0 $0x190, s21  }
0x4b: {  	[tilespmem:s25], [sflag:$0x1] =	stream.indirect.gather @!p0 [hbm4b:s5+s24], $0x40, s23, s24, $0xb8;
	[tilespmem:$0xC800] =	vst v63  }
0x4c: {  	s21 =	sadd.s32 @!p0 $0x210, s21;
	s23 =	simm.s32 @!p0 $0x48;
	s24 =	simm.s32 @!p0 $0x8400  }
0x4d: {  	[tilespmem:s24], [sflag:$0x1] =	stream.indirect.gather @!p0 [hbm4b:s5+s23], $0x40, s21, s23, $0xb8;
	[tilespmem:$0xC800] =	vst v63  }
0x4e: {  	_ =	swait.ge [sflag:s16], $0x3200  }
0x4f: {  	[sflag:s16] =	ssyncset.done $0x0  }
0x50: {  	s21 =	simm.s32 $0x96F0;
	[sflag:s16] =	ssyncadd.s32 $0xFFFFCE00  }
0x51: {  	v0 =	vld [tilespmem:s21+$0xFFFFFF10]  }
0x52: {  	v1 =	vld [tilespmem:s21+$0xFFFFFF20]  }
0x53: {  	v2 =	vld [tilespmem:s21+$0xFFFFFF30]  }
0x54: {  	v3 =	vld [tilespmem:s21+$0xFFFFFF40]  }
0x55: {  	v4 =	vld [tilespmem:s21+$0xFFFFFF50]  }
0x56: {  	v5 =	vld [tilespmem:s21+$0xFFFFFF60];
	v0 =	vmul.f32 $8.000000000e+00, v0  }
0x57: {  	v6 =	vld [tilespmem:s21+$0xFFFFFF70];
	v1 =	vmul.f32 $8.000000000e+00, v1  }
0x58: {  	[tilespmem:s21+$0xFFFFFF10] =	vst v0;
	v0 =	vmul.f32 $8.000000000e+00, v2;
	v2 =	vld [tilespmem:s21+$0xFFFFFF80]  }
0x59: {  	[tilespmem:s21+$0xFFFFFF20] =	vst v1;
	v1 =	vmul.f32 $8.000000000e+00, v3;
	v3 =	vld [tilespmem:s21+$0xFFFFFF90]  }
0x5a: {  	[tilespmem:s21+$0xFFFFFF30] =	vst v0;
	v0 =	vmul.f32 $8.000000000e+00, v4;
	v4 =	vld [tilespmem:s21+$0xFFFFFFA0]  }
0x5b: {  	v7 =	vld [tilespmem:s21+$0xFFFFFFB0];
	[tilespmem:s21+$0xFFFFFF40] =	vst v1;
	v1 =	vmul.f32 $8.000000000e+00, v5  }
0x5c: {  	v5 =	vmul.f32 $8.000000000e+00, v6;
	[tilespmem:s21+$0xFFFFFF50] =	vst v0;
	v0 =	vld [tilespmem:s21+$0xFFFFFFC0]  }
0x5d: {  	[tilespmem:s21+$0xFFFFFF60] =	vst v1;
	v1 =	vld [tilespmem:s21+$0xFFFFFFD0];
	v6 =	vmul.f32 $8.000000000e+00, v2  }
0x5e: {  	[tilespmem:s21+$0xFFFFFF70] =	vst v5;
	v8 =	vmul.f32 $8.000000000e+00, v3;
	v2 =	vld [tilespmem:s21+$0xFFFFFFE0]  }
0x5f: {  	v3 =	vld [tilespmem:s21+$0x0];
	[tilespmem:s21+$0xFFFFFF80] =	vst v6;
	v5 =	vmul.f32 $8.000000000e+00, v4  }
0x60: {  	s23 =	simm.s32 $0x0;
	s24 =	simm.s32 $0x97F0;
	[tilespmem:s21+$0xFFFFFF90] =	vst v8;
	v6 =	vmul.f32 $8.000000000e+00, v7;
	v4 =	vld [tilespmem:s21+$0xFFFFFFF0]  }
.LBB2_5:
0x61: {  	v7 =	vld [tilespmem:s24+$0xFFFFFF10];
	[tilespmem:s21+$0xFFFFFFA0] =	vst v5;
	v0 =	vmul.f32 $8.000000000e+00, v0  }
0x62: {  	v5 =	vld [tilespmem:s24+$0xFFFFFF20];
	[tilespmem:s21+$0xFFFFFFB0] =	vst v6;
	v1 =	vmul.f32 $8.000000000e+00, v1  }
0x63: {  	v6 =	vld [tilespmem:s24+$0xFFFFFF30];
	[tilespmem:s21+$0xFFFFFFC0] =	vst v0;
	v0 =	vmul.f32 $8.000000000e+00, v2  }
0x64: {  	v2 =	vld [tilespmem:s24+$0xFFFFFF40];
	[tilespmem:s21+$0xFFFFFFD0] =	vst v1;
	v1 =	vmul.f32 $8.000000000e+00, v3  }
0x65: {  	v3 =	vld [tilespmem:s24+$0xFFFFFF50];
	[tilespmem:s21+$0xFFFFFFE0] =	vst v0;
	v0 =	vmul.f32 $8.000000000e+00, v4  }
0x66: {  	v4 =	vmul.f32 $8.000000000e+00, v7;
	v7 =	vld [tilespmem:s24+$0xFFFFFF60];
	[tilespmem:s21+$0x0] =	vst v1  }
0x67: {  	v1 =	vmul.f32 $8.000000000e+00, v5;
	v5 =	vld [tilespmem:s24+$0xFFFFFF70];
	[tilespmem:s21+$0xFFFFFFF0] =	vst v0;
	s21 =	smov.u32 s24  }
0x68: {  	[tilespmem:s24+$0xFFFFFF10] =	vst v4;
	v0 =	vmul.f32 $8.000000000e+00, v6;
	v4 =	vld [tilespmem:s24+$0xFFFFFF80]  }
0x69: {  	[tilespmem:s24+$0xFFFFFF20] =	vst v1;
	v1 =	vmul.f32 $8.000000000e+00, v2;
	v2 =	vld [tilespmem:s24+$0xFFFFFF90]  }
0x6a: {  	s23 =	sadd.s32 $0x4, s23;
	[tilespmem:s24+$0xFFFFFF30] =	vst v0;
	v0 =	vmul.f32 $8.000000000e+00, v3;
	v3 =	vld [tilespmem:s24+$0xFFFFFFA0]  }
0x6b: {  	p0 =	slt.u32 s23, $0xC4;
	[tilespmem:s24+$0xFFFFFF40] =	vst v1;
	v1 =	vmul.f32 $8.000000000e+00, v7;
	v6 =	vld [tilespmem:s24+$0xFFFFFFB0]  }
.Ltmp1:
0x6c: {  	[tilespmem:s24+$0xFFFFFF50] =	vst v0;
	v5 =	vmul.f32 $8.000000000e+00, v5;
	v0 =	vld [tilespmem:s24+$0xFFFFFFC0];
	(pc) =	sbr.rel @p0 .LBB2_5-.Ltmp1, $4  }
0x6d: {  	[tilespmem:s24+$0xFFFFFF60] =	vst v1;
	v4 =	vmul.f32 $8.000000000e+00, v4;
	v1 =	vld [tilespmem:s24+$0xFFFFFFD0]  }
0x6e: {  	[tilespmem:s24+$0xFFFFFF70] =	vst v5;
	v7 =	vmul.f32 $8.000000000e+00, v2;
	v2 =	vld [tilespmem:s24+$0xFFFFFFE0]  }
0x6f: {  	[tilespmem:s24+$0xFFFFFF80] =	vst v4;
	v5 =	vmul.f32 $8.000000000e+00, v3;
	v3 =	vld [tilespmem:s24+$0x0]  }
0x70: {  	s24 =	sadd.s32 $0x100, s24;
	[tilespmem:s21+$0xFFFFFF90] =	vst v7;
	v6 =	vmul.f32 $8.000000000e+00, v6;
	v4 =	vld [tilespmem:s21+$0xFFFFFFF0]  }
0x71: {  	[tilespmem:s21+$0xFFFFFFA0] =	vst v5;
	v0 =	vmul.f32 $8.000000000e+00, v0  }
0x72: {  	s20 =	sadd.s32 $0x1, s20;
	[tilespmem:s21+$0xFFFFFFB0] =	vst v6;
	v1 =	vmul.f32 $8.000000000e+00, v1  }
0x73: {  	p0 =	sne.s32 s20, $0x40;
	[tilespmem:s21+$0xFFFFFFC0] =	vst v0;
	v61 =	vmul.f32 $8.000000000e+00, v2  }
.Ltmp2:
0x74: {  	s22 =	sadd.s32 s3, s22;
	[tilespmem:s21+$0xFFFFFFD0] =	vst v1;
	v62 =	vmul.f32 $8.000000000e+00, v3;
	(pc) =	sbr.rel @p0 .LBB2_2-.Ltmp2, $4  }
0x75: {  	s22 =	smul.u32 $0x640, s22;
	[tilespmem:s21+$0xFFFFFFE0] =	vst v61;
	v63 =	vmul.f32 $8.000000000e+00, v4  }
0x76: {  	[tilespmem:s21+$0x0] =	vst v62  }
0x77: {  	s31 =	sadd.s32 s2, s22;
	[tilespmem:s21+$0xFFFFFFF0] =	vst v63  }
0x78: {  	[hbm4b:s31+s4] =	stream.linear.scatter [tilespmem:s13], [sflag:$0x4], $0x3200, $0x38;
	[tilespmem:$0xC800] =	vst v63  }
0x79: {  	s19 =	sadd.s32 $0x1, s19  }
0x7a: {  	_ =	swait.ge [sflag:s17], $0x3200;
	p0 =	sne.s32 s19, s7  }
.Ltmp3:
0x7b: {  	[sflag:s17] =	ssyncset.done $0x0;
	(pc) =	sbr.rel @p0 .LBB2_1-.Ltmp3, $4  }
0x7c: {  	[sflag:s17] =	ssyncadd.s32 $0xFFFFCE00  }
0x7d: {  	_ =	swait.ge [sflag:s18], $0x3200  }
0x7e: {  	[sflag:s18] =	ssyncset.done $0x0  }
0x7f: {  	[sflag:s18] =	ssyncadd.s32 $0xFFFFCE00  }
0x80: {  	_ =	sfence.sel $0x180000  }
0x81: {  	[bflag:$0x0] =	sbarrier.arrive $0xFFFF  }
0x82: {  	p0 =	sne.s32 s0, $0x0;
	_ =	strace $0x90000047  }
0x83: {  	s0 =	sadd.s32 @!p0 $0x100000, s1;
	[bflag:$0x2] =	sbarrier.arrive $0xFFFF  }
0x84: {  	[sflag:s0] =	ssyncadd.tile.s32 @!p0 $0x1;
	_ =	shalt  }
.Lfunc_end2:
_tile_overlayer_lowered:
.L_overlay_start_2:
0x85: {  	(tag) =	ssettag $0x2  }
0x86: {  	s0 =	rddreg [dreg:$0x0];
	s2 =	stileid.u32  }
0x87: {  	s1 =	rddreg [dreg:$0x1];
	p0 =	sne.s32 s2, $0x0  }
0x88: {  	s3 =	rddreg [dreg:$0x2];
	[bflag:$0x3] =	sbarrier.arrive $0xFFFF;
	s2 =	simm.s32 @!p0 $0x1C05  }
0x89: {  	[timem:s3], [sflag:s2] =	dma.local @!p0 [hbm:s0], s1  }
0x8a: {  	s0 =	simm.s32 @!p0 $0x5  }
0x8b: {  	_ =	swait.ge @!p0 [sflag:s0], s1  }
0x8c: {  	s1 =	ssub.s32 @!p0 $0x0, s1;
	[sflag:s0] =	ssyncset.done @!p0 $0x0  }
0x8d: {  	[sflag:s0] =	ssyncadd.s32 @!p0 s1  }
0x8e: {  	[bflag:$0x3] =	sbarrier.arrive $0xFFFF  }
0x8f: {  	_ =	shalt  }

// kernel: sparse-core-data-format-call.cloned.1.call-start
scs
called_computation_lowered:
.L_overlay_start_0:
0x0: {  	s2 =	sld [smem:$0x3FD9]  }
0x1: {  	s3 =	sld [smem:$0x3FFE];
	_ =	sdelay $0x1  }
0x2: {  	s1 =	srdreg.scid  }
0x3: {  	s0 =	sand.u32 $0x1, s1  }
0x4: {  	s18 =	sshll.u32 s0, $0xA;
	s2 =	sadd.s32 s3, s2  }
0x5: {  	s2 =	sadd.s32 s2, s18  }
0x6: {  	[smem:$0x3FC6] =	sst s2  }
0x7: {  	_ = 	snop  }
0x8: {  	s2 =	sld [smem:$0x3FD0];
	(tm) =	ssettm $0x1  }
0x9: {  	s19 =	sld [smem:$0x3FFB];
	_ =	sdelay $0x3  }
0xa: {  	_ =	strace s19  }
0xb: {  	s3 =	sld [smem:$0x3FFC];
	_ =	sdelay $0x3  }
0xc: {  	_ =	strace s3  }
0xd: {  	s3 =	sld [smem:$0x3FFD];
	_ =	sdelay $0x3  }
0xe: {  	_ =	strace s3  }
0xf: {  	_ =	strace $0x8FFFFFFF  }
0x10: {  	s20 =	sld [smem:$0x3FDB];
	_ =	sdelay $0x1  }
0x11: {  	s4 =	simm.s32 $_scs_section_size  }
0x12: {  	s5 =	simm.s32 $_size__tile_overlayer_lowered;
	s6 =	simm.s32 $_tile_overlayer_lowered  }
0x13: {  	s23 =	simm.s32 $0x1BFF;
	s22 =	sshll.u32 s6, $0x1;
	s3 =	sadd.s32 s4, s20  }
0x14: {  	s7 =	simm.s32 $0x0;
	s21 =	sshll.u32 s5, $0x1;
	s5 =	sadd.s32 s22, s3  }
0x15: {  	[timem:s7], [sflag:s23] =	dma.local [hbm:s5], s21  }
0x16: {  	_ =	swait.ge [sflag:s23], s21  }
0x17: {  	s4 =	ssub.s32 $0x0, s21;
	[sflag:s23] =	ssyncset.done $0x0  }
0x18: {  	[sflag:s23] =	ssyncadd.s32 s4;
	_ =	sdelay $0x1  }
0x19: {  	s24 =	simm.s32 $0x1B8B  }
0x1a: {  	_ =	swait.ge [sflag:s24], $0x1  }
0x1b: {  	[sflag:s24] =	ssyncset.done $0x0  }
0x1c: {  	s26 =	simm.s32 $0x1B8E;
	s25 =	sld [smem:$0x3FFE];
	[sflag:s24] =	ssyncadd.s32 $0xFFFFFFFF  }
0x1d: {  	s27 =	simm.s32 $execute0_lowered;
	[smem:$0x3FD2] =	sst s26  }
0x1e: {  	s5 =	sshll.u32 s27, $0x1;
	_ =	strace $0x80000049;
	[dreg:$0x1] =	wrdreg $0xFFFFFFFF  }
0x1f: {  	s28 =	simm.s32 $_size_execute0_lowered;
	s3 =	sadd.s32 s3, s5;
	[dreg:$0x0] =	wrdreg $0x0  }
0x20: {  	s5 =	sshll.u32 s28, $0x1;
	[dreg:$0x2] =	wrdreg s3  }
0x21: {  	[dreg:$0x3] =	wrdreg s5  }
0x22: {  	[dreg:$0x4] =	wrdreg $0xC0  }
0x23: {  	_ =	task [dreg:s7], $0x5FFFF  }
0x24: {  	[dreg:$0x1] =	wrdreg $0xFFFFFFFF  }
0x25: {  	[dreg:$0x0] =	wrdreg $0x60  }
0x26: {  	[dreg:$0x2] =	wrdreg s25  }
0x27: {  	[dreg:$0x3] =	wrdreg s2  }
0x28: {  	[dreg:$0x4] =	wrdreg $0x9  }
0x29: {  	_ =	task.clear_ibuf [dreg:s7], $0x5FFFF;
	_ =	strace $0x90000049  }
0x2a: {  	s29 =	simm.s32 $0x9;
	_ =	strace $0x8000004B  }
0x2b: {  	_ =	swait.ge [sflag:s29], $0x1  }
0x2c: {  	[sflag:s29] =	ssyncadd.s32 $0xFFFFFFFF  }
0x2d: {  	_ =	strace $0x9000004B  }
0x2e: {  	_ =	sfence  }
0x2f: {  	s30 =	sld [smem:$0x0];
	_ =	sdelay $0x2  }
0x30: {  	s31 =	sshll.u32 s1, $0xD;
	s1 =	sshrl.u32 s1, $0x2  }
0x31: {  	s3 =	sand.u32 $0x4000, s31;
	s1 =	sadd.s32 s1, s30  }
0x32: {  	s0 =	sor.u32 s3, s0;
	s1 =	sshll.u32 s1, $0x11  }
0x33: {  	s0 =	sor.u32 s1, s0  }
0x34: {  	s0 =	sadd.s32 $0x8F2B, s0  }
0x35: {  	[sflag:s0] =	ssyncadd.remote.s32 $0x1  }
0x36: {  	_ =	sfence.sel $0xFFFF  }
0x37: {  	[dreg:$0x0] =	wrdreg $0xFFFFFFFF;
	(pc) =	sbr.abs _section_cstart, $3  }
0x38: {  	[dreg:$0x1] =	wrdreg $0xFFFFFFFF  }
0x39: {  	_ =	task.clear_ibuf [dreg:s7], $0x2FFFF;
	_ =	strace $0x9FFFFFFF  }
0x3a: {  	(tm) =	ssettm $0x7FFFFFFF  }
0x3b: {  	_ =	shalt  }
tec
execute0_lowered:
.L_overlay_start_1:
0x0: {  	(tag) =	ssettag $0x1  }
0x1: {  	s0 =	srdreg.scid  }
0x2: {  	s1 =	sshll.u32 s0, $0x4  }
0x3: {  	s0 =	stileid.u32;
	s1 =	sand.u32 $0x10, s1  }
0x4: {  	s1 =	sor.u32 s0, s1  }
0x5: {  	s6 =	rddreg [dreg:$0x0];
	s4 =	simm.s32 $0x1;
	s2 =	sshll.u32 s1, $0x7  }
0x6: {  	s7 =	simm.s32 $0x2;
	s12 =	simm.s32 $0x0;
	s1 =	ssub.s32 $0x1000, s2  }
0x7: {  	s8 =	simm.s32 $0x8000;
	s13 =	simm.s32 $0x0;
	s3 =	sand.u32 $0xF80, s1  }
0x8: {  	s9 =	simm.s32 $0x0;
	s5 =	sshrl.u32 s1, $0xC;
	p0 =	sne.s32 s3, $0x0  }
.Ltmp0:
0x9: {  	s1 =	rddreg [dreg:$0x2];
	s4 =	simm.s32 @!p0 $0x0;
	(pc) =	sbr.rel .LBB1_1-.Ltmp0, $4  }
0xa: {  	s11 =	simm.s32 $0x0;
	s3 =	rddreg [dreg:$0x1];
	s5 =	sadd.s32 s4, s5  }
0xb: {  	_ =	strace $0x8000004A;
	s4 =	simm.s32 $0x1;
	s5 =	smul.u32 $0xC8, s5  }
0xc: {  	s6 =	sadd.s32 $0xA00, s6;
	s10 =	smov.u32 s2;
	[sflag:s4] =	ssyncpa.u1 $0x0  }
0xd: {  	p0 =	por $0x0, $0x0;
	[sflag:s7] =	ssyncpa.u1 $0x0;
	s7 =	sor.u32 $0x1, s5  }
.LBB1_4:
0xe: {  	s16 =	sshll.u32 s13, $0x3;
	s17 =	sand.u32 $0x78, s13  }
0xf: {  	s30 =	sand.u32 $0x7E00, s13;
	s12 =	sshll.u32 s12, $0xF;
	s16 =	sand.u32 $0xC00, s16  }
0x10: {  	[tilespmem:s15+$0x810 ss:$0x81] =	vst.msk $0xffff, v2;
	s31 =	sand.u32 $0x7, s13;
	s16 =	sor.u32 s17, s16;
	s17 =	sadd.s32 s3, s30  }
0x11: {  	[tilespmem:s15+$0x1020 ss:$0x81] =	vst.msk $0xffff, v0;
	s13 =	sshll.u32 s31, $0x12;
	s12 =	sadd.s32 s12, s17;
	s16 =	sshrl.u32 s16, $0x3  }
0x12: {  	[tilespmem:s15+$0x0 ss:$0x81] =	vst.msk $0xffff, v1;
	s13 =	sor.u32 $0x400, s13;
	s12 =	sadd.s32 s16, s12  }
0x13: {  	[hbm4b:s12+s13] =	stream.strided.scatter [tilespmem:s14], [sflag:$0x2], $0x2000, s8, s13, $0x20;
	[tilespmem:$0x8080] =	vst v63  }
.LBB1_5:
0x14: {  	s14 =	sadd.s32 $0x1, s9  }
0x15: {  	s12 =	sadd.s32 $0x1000, s10;
	s16 =	smov.u32 s10;
	p2 =	sgt.s32 s14, $0xC7  }
0x16: {  	s16 =	smov.u32 @p2 s12  }
0x17: {  	s14 =	simm.s32 @p2 $0x0;
	p2 =	sgt.s32 s16, $0xFFF  }
0x18: {  	s16 =	smov.u32 @p2 s2;
	p2 =	sne.s32 s11, s7  }
.Ltmp1:
0x19: {  	p1 =	slt.u32 s11, $0x2;
	(pc) =	sbr.rel @!p2 .LBB1_6-.Ltmp1, $4  }
0x1a: {  	s15 =	simm.s32 @!p1 $0x2  }
0x1b: {  	s13 =	smov.u32 s10;
	p0 =	por !p0, !p0;
	_ =	swait.ge @!p1 [sflag:s15], $0x2000  }
0x1c: {  	s12 =	smov.u32 s9;
	[sflag:s15] =	ssyncset.done @!p1 $0x0;
	s9 =	smov.u32 s14  }
0x1d: {  	s11 =	sadd.s32 $0x1, s11;
	[sflag:s15] =	ssyncadd.s32 @!p1 $0xFFFFE000;
	s10 =	smov.u32 s16  }
.LBB1_1:
0x1e: {  	p1 =	sge.u32 s11, s5  }
0x1f: {  	s14 =	sand.u32 @!p1 $0x1FFFFFF, s9  }
0x20: {  	s15 =	smulhi.u32 @!p1 $0x147AE15, s14;
	_ =	sdelay $0x1  }
0x21: {  	s15 =	smul.u32 @!p1 $0xC8, s15  }
0x22: {  	s16 =	sxor.u32 @!p1 $0xFFFFFFFF, s11;
	s17 =	smul.u32 @!p1 $0xC80, s10  }
0x23: {  	s31 =	sadd.s32 $0xFFFFFFFF, s11;
	s16 =	sshll.u32 @!p1 s16, $0xD;
	s14 =	ssub.s32 @!p1 s14, s15  }
0x24: {  	s15 =	sand.u32 @!p1 $0x2000, s16;
	s16 =	sadd.s32 @!p1 s6, s17;
	s14 =	sshll.u32 @!p1 s14, $0x4  }
0x25: {  	s17 =	simm.s32 @!p1 $0x6400;
	s14 =	sadd.s32 @!p1 s14, s16;
	s16 =	simm.s32 @!p1 $0x40  }
0x26: {  	[tilespmem:s15], [sflag:$0x1] =	stream.strided.gather @!p1 [hbm4b:s14+s16], $0x2000, s17, s16, $0x38;
	[tilespmem:$0x8080] =	vst v63  }
0x27: {  	p1 =	sge.u32 s31, s5  }
.Ltmp2:
0x28: {  	_ = 	snop;
	(pc) =	sbr.rel @p1 .LBB1_5-.Ltmp2, $1  }
0x29: {  	_ =	sdelay $0x3  }
0x2a: {  	s14 =	simm.s32 $0x1  }
0x2b: {  	_ =	swait.ge [sflag:s4], $0x2000;
	s14 =	simm.s32 @!p0 $0x0  }
0x2c: {  	[sflag:s4] =	ssyncset.done $0x0;
	s15 =	sshll.u32 s14, $0xD  }
0x2d: {  	[sflag:s4] =	ssyncadd.s32 $0xFFFFE000;
	s18 =	sor.u32 $0x20, s15  }
0x2e: {  	s14 =	smul.u32 $0x8100, s14;
	v3 =	vld [tilespmem:s18+$0x10]  }
0x2f: {  	s30 =	sand.u32 $0x1, s11;
	v2 =	vld [tilespmem:s18+$0xFFFFFFF0]  }
0x30: {  	s15 =	smul.u32 $0x8100, s30;
	s14 =	sshrl.u32 s14, $0x2;
	v0 =	vld [tilespmem:s18+$0x0]  }
0x31: {  	v1 =	vld [tilespmem:s18+$0xFFFFFFE0];
	s16 =	sor.u32 $0x4000, s14  }
0x32: {  	s31 =	sshrl.u32 s15, $0x2;
	s15 =	sadd.s32 $0x0, s16  }
0x33: {  	s17 =	simm.s32 $0x4;
	s18 =	sadd.s32 $0x40, s18;
	s14 =	sor.u32 $0x4000, s31;
	[tilespmem:s15+$0x1830 ss:$0x81] =	vst.msk $0xffff, v3  }
.LBB1_3:
0x34: {  	v3 =	vld [tilespmem:s18+$0x10];
	p1 =	sne.s32 s17, $0x1FC;
	[tilespmem:s15+$0x810 ss:$0x81] =	vst.msk $0xffff, v2;
	s19 =	smov.u32 s17;
	s17 =	sadd.s32 $0x4, s17  }
.Ltmp3:
0x35: {  	v2 =	vld [tilespmem:s18+$0xFFFFFFF0];
	[tilespmem:s15+$0x1020 ss:$0x81] =	vst.msk $0xffff, v0;
	(pc) =	sbr.rel @p1 .LBB1_3-.Ltmp3, $4  }
0x36: {  	v0 =	vld [tilespmem:s18+$0x0];
	[tilespmem:s15+$0x0 ss:$0x81] =	vst.msk $0xffff, v1  }
0x37: {  	s15 =	sshra.s32 s19, $0x2;
	v1 =	vld [tilespmem:s18+$0xFFFFFFE0]  }
0x38: {  	s15 =	sadd.s32 s15, s16  }
0x39: {  	s18 =	sadd.s32 $0x40, s18;
	[tilespmem:s15+$0x1830 ss:$0x81] =	vst.msk $0xffff, v3  }
.Ltmp4:
0x3a: {  	_ = 	snop;
	(pc) =	sbr.rel .LBB1_4-.Ltmp4, $1  }
0x3b: {  	_ =	sdelay $0x3  }
.LBB1_6:
0x3c: {  	_ =	sfence.sel $0x180000  }
0x3d: {  	s2 =	simm.s32 $0x1;
	[bflag:$0x0] =	sbarrier.arrive $0xFFFF  }
0x3e: {  	s31 =	simm.s32 $0x2;
	[sflag:s2] =	ssyncpa.u1 $0x1  }
0x3f: {  	[sflag:s31] =	ssyncpa.u1 $0x1  }
0x40: {  	p0 =	sne.s32 s0, $0x0;
	_ =	strace $0x9000004A  }
0x41: {  	s0 =	sadd.s32 @!p0 $0x100000, s1;
	[bflag:$0x2] =	sbarrier.arrive $0xFFFF  }
0x42: {  	[sflag:s0] =	ssyncadd.tile.s32 @!p0 $0x1;
	_ =	shalt  }
.Lfunc_end1:
_tile_overlayer_lowered:
.L_overlay_start_2:
0x43: {  	(tag) =	ssettag $0x2  }
0x44: {  	s0 =	rddreg [dreg:$0x0];
	s2 =	stileid.u32  }
0x45: {  	s1 =	rddreg [dreg:$0x1];
	p0 =	sne.s32 s2, $0x0  }
0x46: {  	s3 =	rddreg [dreg:$0x2];
	[bflag:$0x3] =	sbarrier.arrive $0xFFFF;
	s2 =	simm.s32 @!p0 $0x1C01  }
0x47: {  	[timem:s3], [sflag:s2] =	dma.local @!p0 [hbm:s0], s1  }
0x48: {  	s0 =	simm.s32 @!p0 $0x1  }
0x49: {  	_ =	swait.ge @!p0 [sflag:s0], s1  }
0x4a: {  	s1 =	ssub.s32 @!p0 $0x0, s1;
	[sflag:s0] =	ssyncset.done @!p0 $0x0  }
0x4b: {  	[sflag:s0] =	ssyncadd.s32 @!p0 s1  }
0x4c: {  	[bflag:$0x3] =	sbarrier.arrive $0xFFFF  }
0x4d: {  	_ =	shalt  }

</sc_bundles>
